<compile_context>
chip_gen: v7x
topology: tpu7x:2x2x1
jax: 0.10.2.dev20260603
libtpu: 0.0.44.dev20260713+nightly
codegen_flags: <defaults>
</compile_context>

<pallas_src>
import functools

import jax
import jax.numpy as jnp
from jax import lax
from jax.experimental import pallas as pl
from jax.experimental.pallas import tpu as pltpu
from jax.experimental.pallas import tpu_sc as plsc

N = 10000
E = 320000
D = 128
H = 2 * D
EPS = 1e-7
BN_EPS = 1e-5

NCORE = 2
NSUB = 16
NW = NCORE * NSUB
CPT = D // NW
CHE = 1600
NCHE = E // CHE
WPC = CHE // 16


def _sc_agg_body(xt_hbm, src_hbm, dst_hbm, out_hbm, xch,
                 a0, a1, a2, a3, a4, a5, a6, a7,
                 sb0, sb1, db0, db1, isem0, isem1):
    c = lax.axis_index("c")
    s = lax.axis_index("s")
    t = s * NCORE + c
    accs = (a0, a1, a2, a3, a4, a5, a6, a7)

    pltpu.sync_copy(xt_hbm.at[t], xch)

    zeros = jnp.zeros((16,), jnp.float32)

    def zrow(i, carry):
        for a in accs:
            a[pl.ds(i * 16, 16)] = zeros
        return carry

    lax.fori_loop(0, N // 16, zrow, 0)

    def window(sbuf, dbuf, wi):
        sv = sbuf[pl.ds(wi * 16, 16)]
        dv = dbuf[pl.ds(wi * 16, 16)]
        for ch in range(CPT):
            gi = sv + (ch * N) if ch else sv
            v = plsc.load_gather(xch, [gi])
            m = jnp.maximum(v, 0.0) + EPS
            w = jnp.exp(m)
            mw = m * w
            plsc.addupdate_scatter(accs[2 * ch], [dv], w)
            plsc.addupdate_scatter(accs[2 * ch + 1], [dv], mw)

    def do_chunk(ci, bufs, nbufs):
        sbuf, dbuf, sem = bufs
        nsbuf, ndbuf, nsem = nbufs
        pltpu.make_async_copy(src_hbm.at[pl.ds(ci * CHE, CHE)], sbuf,
                              sem).wait()
        pltpu.make_async_copy(dst_hbm.at[pl.ds(ci * CHE, CHE)], dbuf,
                              sem).wait()

        @pl.when(ci + 1 < NCHE)
        def _():
            nci = ci + 1
            pltpu.async_copy(src_hbm.at[pl.ds(nci * CHE, CHE)], nsbuf, nsem)
            pltpu.async_copy(dst_hbm.at[pl.ds(nci * CHE, CHE)], ndbuf, nsem)

        def wbody(wq, carry):
            for u in range(4):
                window(sbuf, dbuf, wq * 4 + u)
            return carry

        lax.fori_loop(0, WPC // 4, wbody, 0)

    bufs0 = (sb0, db0, isem0)
    bufs1 = (sb1, db1, isem1)
    pltpu.async_copy(src_hbm.at[pl.ds(0, CHE)], sb0, isem0)
    pltpu.async_copy(dst_hbm.at[pl.ds(0, CHE)], db0, isem0)

    def pair(i, carry):
        do_chunk(2 * i, bufs0, bufs1)
        do_chunk(2 * i + 1, bufs1, bufs0)
        return carry

    lax.fori_loop(0, NCHE // 2, pair, 0)

    for j, a in enumerate(accs):
        pltpu.sync_copy(a, out_hbm.at[t, j])


_sc_agg = functools.partial(
    pl.kernel,
    out_type=jax.ShapeDtypeStruct((NW, 2 * CPT, N), jnp.float32),
    mesh=plsc.VectorSubcoreMesh(core_axis_name="c", subcore_axis_name="s",
                                num_cores=NCORE),
    compiler_params=pltpu.CompilerParams(needs_layout_passes=False),
    scratch_types=[
        pltpu.VMEM((CPT * N,), jnp.float32),
        pltpu.VMEM((N,), jnp.float32),
        pltpu.VMEM((N,), jnp.float32),
        pltpu.VMEM((N,), jnp.float32),
        pltpu.VMEM((N,), jnp.float32),
        pltpu.VMEM((N,), jnp.float32),
        pltpu.VMEM((N,), jnp.float32),
        pltpu.VMEM((N,), jnp.float32),
        pltpu.VMEM((N,), jnp.float32),
        pltpu.VMEM((CHE,), jnp.int32),
        pltpu.VMEM((CHE,), jnp.int32),
        pltpu.VMEM((CHE,), jnp.int32),
        pltpu.VMEM((CHE,), jnp.int32),
        pltpu.SemaphoreType.DMA,
        pltpu.SemaphoreType.DMA,
    ],
)(_sc_agg_body)


def _tc_body(x_ref, den_ref, num_ref, w1_ref, b1_ref, g_ref, be_ref, w2_ref,
             b2_ref, o_ref):
    x = x_ref[...]
    out = num_ref[...] / (den_ref[...] + 1e-16) + x
    h = jnp.dot(out, w1_ref[...], preferred_element_type=jnp.float32)
    h = h + b1_ref[...]
    mean = jnp.mean(h, axis=0, keepdims=True)
    var = jnp.mean((h - mean) ** 2, axis=0, keepdims=True)
    hn = (h - mean) * lax.rsqrt(var + BN_EPS) * g_ref[...] + be_ref[...]
    hn = jnp.maximum(hn, 0.0)
    y = jnp.dot(hn, w2_ref[...], preferred_element_type=jnp.float32)
    y = y + b2_ref[...]
    o_ref[...] = x + jnp.maximum(y, 0.0)


def kernel(x, edge_index, W1, b1, gamma, beta, W2, b2):
    ei = edge_index.astype(jnp.int32)
    xt = jnp.transpose(x).reshape(NW, CPT * N)
    o = _sc_agg(xt, ei[0], ei[1])
    den = jnp.transpose(o[:, 0::2, :].reshape(D, N))
    num = jnp.transpose(o[:, 1::2, :].reshape(D, N))
    return pl.pallas_call(
        _tc_body,
        out_shape=jax.ShapeDtypeStruct((N, D), jnp.float32),
    )(x, den, num, W1, b1[None, :], gamma[None, :], beta[None, :], W2,
      b2[None, :])

# --- scband reference (transcript-rebuilt; emitter-appended) ---
"""Pipeline reference for scband-genconv-83330955477201 (READ-ONLY COPY).

The authoritative reference and input builder live on the scoring server;
editing this copy changes nothing except your own understanding.
"""

import jax, jax.numpy as jnp
import numpy as np

N = 10000
E = 320000
D = 128
H = 2 * D  # GENConv MLP hidden expansion=2
EPS = 1e-7
BN_EPS = 1e-5
T = 1.0  # softmax aggregation temperature (learn_t=False)


def setup_inputs(seed: int = 0) -> dict:
    key = jax.random.key(seed)
    ks = jax.random.split(key, 8)
    x = jax.random.normal(ks[0], (N, D), dtype=jnp.float32)
    edge_index = jax.random.randint(ks[1], (2, E), 0, N, dtype=jnp.int64)
    # GENConv MLP: Linear(D, 2D) -> BatchNorm1d(2D) -> ReLU -> Linear(2D, D)
    lim1 = 1.0 / np.sqrt(D)
    W1 = jax.random.uniform(ks[2], (D, H), dtype=jnp.float32, minval=-lim1, maxval=lim1)
    b1 = jax.random.uniform(ks[3], (H,), dtype=jnp.float32, minval=-lim1, maxval=lim1)
    gamma = jnp.ones((H,), dtype=jnp.float32)
    beta = jnp.zeros((H,), dtype=jnp.float32)
    lim2 = 1.0 / np.sqrt(H)
    W2 = jax.random.uniform(ks[4], (H, D), dtype=jnp.float32, minval=-lim2, maxval=lim2)
    b2 = jax.random.uniform(ks[5], (D,), dtype=jnp.float32, minval=-lim2, maxval=lim2)
    return {"x": x, "edge_index": edge_index, "W1": W1, "b1": b1,
            "gamma": gamma, "beta": beta, "W2": W2, "b2": b2}


def _genconv(x, edge_index, W1, b1, gamma, beta, W2, b2):
    src = edge_index[0]
    dst = edge_index[1]
    # message: relu(x_j) + eps  (no edge_attr)
    msg = jnp.maximum(x[src], 0.0) + EPS
    # softmax aggregation over incoming edges per dst node (per channel)
    logits = msg * T
    seg_max = jax.ops.segment_max(logits, dst, num_segments=N)
    seg_max = jnp.where(jnp.isfinite(seg_max), seg_max, 0.0)
    ex = jnp.exp(logits - seg_max[dst])
    denom = jax.ops.segment_sum(ex, dst, num_segments=N)
    alpha = ex / (denom[dst] + 1e-16)
    out = jax.ops.segment_sum(msg * alpha, dst, num_segments=N)
    # residual with root node features (x_r)
    out = out + x
    # MLP with BatchNorm1d in training mode (batch statistics)
    h = out @ W1 + b1
    mean = jnp.mean(h, axis=0)
    var = jnp.var(h, axis=0)
    h = (h - mean) / jnp.sqrt(var + BN_EPS) * gamma + beta
    h = jnp.maximum(h, 0.0)
    y = h @ W2 + b2
    return y


def reference(x, edge_index, W1, b1, gamma, beta, W2, b2):
    # wrapper: x = x + relu(genconv(x, edge_index))
    y = _genconv(x, edge_index, W1, b1, gamma, beta, W2, b2)
    return x + jnp.maximum(y, 0.0)

if __name__ == "__main__":
    import jax
    _d = setup_inputs()
    print(jax.jit(kernel)(*tuple(_d.values())))

</pallas_src>

<mosaic_0001>
#map = affine_map<(d0, d1) -> (0, 0)>
#map1 = affine_map<(d0, d1) -> (0)>
#map2 = affine_map<(d0, d1) -> (0, 0, 0)>
module attributes {stable_mosaic.version = 14 : i64} {
  func.func @_sc_agg_body(%arg0: i32, %arg1: i32, %arg2: memref<32x40000xf32, #tpu.memory_space<hbm>>, %arg3: memref<320000xi32, #tpu.memory_space<hbm>>, %arg4: memref<320000xi32, #tpu.memory_space<hbm>>, %arg5: memref<32x8x10000xf32, #tpu.memory_space<hbm>>, %arg6: memref<40000xf32, #tpu.memory_space<vmem>>, %arg7: memref<10000xf32, #tpu.memory_space<vmem>>, %arg8: memref<10000xf32, #tpu.memory_space<vmem>>, %arg9: memref<10000xf32, #tpu.memory_space<vmem>>, %arg10: memref<10000xf32, #tpu.memory_space<vmem>>, %arg11: memref<10000xf32, #tpu.memory_space<vmem>>, %arg12: memref<10000xf32, #tpu.memory_space<vmem>>, %arg13: memref<10000xf32, #tpu.memory_space<vmem>>, %arg14: memref<10000xf32, #tpu.memory_space<vmem>>, %arg15: memref<1600xi32, #tpu.memory_space<vmem>>, %arg16: memref<1600xi32, #tpu.memory_space<vmem>>, %arg17: memref<1600xi32, #tpu.memory_space<vmem>>, %arg18: memref<1600xi32, #tpu.memory_space<vmem>>, %arg19: memref<!tpu.dma_semaphore, #tpu.memory_space<semaphore_mem>>, %arg20: memref<!tpu.dma_semaphore, #tpu.memory_space<semaphore_mem>>) attributes {dimension_semantics = [#tpu.dimension_semantics<core_parallel>, #tpu.dimension_semantics<subcore_parallel>], iteration_bounds = array<i64: 2, 16>, scalar_prefetch = 0 : i64, scratch_operands = 15 : i64, tpu.core_type = #tpu.core_type<sc_vector_subcore>, window_params = [{transform_indices = #map}, {transform_indices = #map1}, {transform_indices = #map1}, {transform_indices = #map2}]} {
    %mul3A = arith.constant 2 : i32
    %mul3A_0 = arith.muli %arg1, %mul3A : i32
    %add3A = arith.addi %mul3A_0, %arg0 : i32
    "tpu.region"() ({
      %run_scoped3A_27 = tpu.sem_alloc : memref<!tpu.dma_semaphore, #tpu.memory_space<semaphore_mem>>
      %dma_start3A_28 = arith.constant 0 : i32
      %dma_start3A_29 = tpu.memref_slice %arg2[%add3A, %dma_start3A_28] : memref<32x40000xf32, #tpu.memory_space<hbm>> -> memref<1x40000xf32, #tpu.memory_space<hbm>>
      %dma_start3A_30 = tpu.memref_squeeze %dma_start3A_29 : memref<1x40000xf32, #tpu.memory_space<hbm>> -> memref<40000xf32, #tpu.memory_space<hbm>>
      %dma_start3A_31 = arith.constant 0 : i32
      %dma_start3A_32 = tpu.memref_slice %arg2[%add3A, %dma_start3A_31] : memref<32x40000xf32, #tpu.memory_space<hbm>> -> memref<1x40000xf32, #tpu.memory_space<hbm>>
      %dma_start3A_33 = tpu.memref_squeeze %dma_start3A_32 : memref<1x40000xf32, #tpu.memory_space<hbm>> -> memref<40000xf32, #tpu.memory_space<hbm>>
      tpu.enqueue_dma source(%dma_start3A_33 : memref<40000xf32, #tpu.memory_space<hbm>>) target(%arg6 : memref<40000xf32, #tpu.memory_space<vmem>>) target_semaphore(%run_scoped3A_27 : memref<!tpu.dma_semaphore, #tpu.memory_space<semaphore_mem>>)
      %dma_wait3A = arith.constant 0 : i32
      %dma_wait3A_34 = tpu.memref_slice %arg2[%add3A, %dma_wait3A] : memref<32x40000xf32, #tpu.memory_space<hbm>> -> memref<1x40000xf32, #tpu.memory_space<hbm>>
      %dma_wait3A_35 = tpu.memref_squeeze %dma_wait3A_34 : memref<1x40000xf32, #tpu.memory_space<hbm>> -> memref<40000xf32, #tpu.memory_space<hbm>>
      %dma_wait3A_36 = arith.constant 0 : i32
      %dma_wait3A_37 = tpu.memref_slice %arg2[%add3A, %dma_wait3A_36] : memref<32x40000xf32, #tpu.memory_space<hbm>> -> memref<1x40000xf32, #tpu.memory_space<hbm>>
      %dma_wait3A_38 = tpu.memref_squeeze %dma_wait3A_37 : memref<1x40000xf32, #tpu.memory_space<hbm>> -> memref<40000xf32, #tpu.memory_space<hbm>>
      tpu.wait_dma2 semaphore(%run_scoped3A_27 : memref<!tpu.dma_semaphore, #tpu.memory_space<semaphore_mem>>) src(%dma_wait3A_38 : memref<40000xf32, #tpu.memory_space<hbm>>) dst(%arg6 : memref<40000xf32, #tpu.memory_space<vmem>>)
      tpu.yield
    }) : () -> ()
    %broadcast_in_dim3A = arith.constant 0.000000e+00 : f32
    %broadcast_in_dim3A_1 = vector.broadcast %broadcast_in_dim3A : f32 to vector<16xf32>
    %scan3A = arith.constant 0 : i32
    %scan3A_2 = arith.constant 0 : i32
    %scan3A_3 = arith.constant 625 : i32
    %scan3A_4 = arith.addi %scan3A_2, %scan3A_3 : i32
    %scan3A_5 = arith.constant 1 : i32
    scf.for %scan3A_27 = %scan3A_2 to %scan3A_4 step %scan3A_5  : i32 {
      %mul3A_28 = arith.constant 16 : i32
      %mul3A_29 = arith.muli %scan3A_27, %mul3A_28 : i32
      %swap3A = arith.index_cast %mul3A_29 : i32 to index
      %swap3A_30 = tpu.vector_load %arg7[%swap3A] {strides = array<i32>} : memref<10000xf32, #tpu.memory_space<vmem>>, vector<16xf32>,
      tpu.vector_store %arg7[%swap3A], %broadcast_in_dim3A_1 {strides = array<i32>} : memref<10000xf32, #tpu.memory_space<vmem>>, vector<16xf32>,
      %mul3A_31 = arith.constant 16 : i32
      %mul3A_32 = arith.muli %scan3A_27, %mul3A_31 : i32
      %swap3A_33 = arith.index_cast %mul3A_32 : i32 to index
      %swap3A_34 = tpu.vector_load %arg8[%swap3A_33] {strides = array<i32>} : memref<10000xf32, #tpu.memory_space<vmem>>, vector<16xf32>,
      tpu.vector_store %arg8[%swap3A_33], %broadcast_in_dim3A_1 {strides = array<i32>} : memref<10000xf32, #tpu.memory_space<vmem>>, vector<16xf32>,
      %mul3A_35 = arith.constant 16 : i32
      %mul3A_36 = arith.muli %scan3A_27, %mul3A_35 : i32
      %swap3A_37 = arith.index_cast %mul3A_36 : i32 to index
      %swap3A_38 = tpu.vector_load %arg9[%swap3A_37] {strides = array<i32>} : memref<10000xf32, #tpu.memory_space<vmem>>, vector<16xf32>,
      tpu.vector_store %arg9[%swap3A_37], %broadcast_in_dim3A_1 {strides = array<i32>} : memref<10000xf32, #tpu.memory_space<vmem>>, vector<16xf32>,
      %mul3A_39 = arith.constant 16 : i32
      %mul3A_40 = arith.muli %scan3A_27, %mul3A_39 : i32
      %swap3A_41 = arith.index_cast %mul3A_40 : i32 to index
      %swap3A_42 = tpu.vector_load %arg10[%swap3A_41] {strides = array<i32>} : memref<10000xf32, #tpu.memory_space<vmem>>, vector<16xf32>,
      tpu.vector_store %arg10[%swap3A_41], %broadcast_in_dim3A_1 {strides = array<i32>} : memref<10000xf32, #tpu.memory_space<vmem>>, vector<16xf32>,
      %mul3A_43 = arith.constant 16 : i32
      %mul3A_44 = arith.muli %scan3A_27, %mul3A_43 : i32
      %swap3A_45 = arith.index_cast %mul3A_44 : i32 to index
      %swap3A_46 = tpu.vector_load %arg11[%swap3A_45] {strides = array<i32>} : memref<10000xf32, #tpu.memory_space<vmem>>, vector<16xf32>,
      tpu.vector_store %arg11[%swap3A_45], %broadcast_in_dim3A_1 {strides = array<i32>} : memref<10000xf32, #tpu.memory_space<vmem>>, vector<16xf32>,
      %mul3A_47 = arith.constant 16 : i32
      %mul3A_48 = arith.muli %scan3A_27, %mul3A_47 : i32
      %swap3A_49 = arith.index_cast %mul3A_48 : i32 to index
      %swap3A_50 = tpu.vector_load %arg12[%swap3A_49] {strides = array<i32>} : memref<10000xf32, #tpu.memory_space<vmem>>, vector<16xf32>,
      tpu.vector_store %arg12[%swap3A_49], %broadcast_in_dim3A_1 {strides = array<i32>} : memref<10000xf32, #tpu.memory_space<vmem>>, vector<16xf32>,
      %mul3A_51 = arith.constant 16 : i32
      %mul3A_52 = arith.muli %scan3A_27, %mul3A_51 : i32
      %swap3A_53 = arith.index_cast %mul3A_52 : i32 to index
      %swap3A_54 = tpu.vector_load %arg13[%swap3A_53] {strides = array<i32>} : memref<10000xf32, #tpu.memory_space<vmem>>, vector<16xf32>,
      tpu.vector_store %arg13[%swap3A_53], %broadcast_in_dim3A_1 {strides = array<i32>} : memref<10000xf32, #tpu.memory_space<vmem>>, vector<16xf32>,
      %mul3A_55 = arith.constant 16 : i32
      %mul3A_56 = arith.muli %scan3A_27, %mul3A_55 : i32
      %swap3A_57 = arith.index_cast %mul3A_56 : i32 to index
      %swap3A_58 = tpu.vector_load %arg14[%swap3A_57] {strides = array<i32>} : memref<10000xf32, #tpu.memory_space<vmem>>, vector<16xf32>,
      tpu.vector_store %arg14[%swap3A_57], %broadcast_in_dim3A_1 {strides = array<i32>} : memref<10000xf32, #tpu.memory_space<vmem>>, vector<16xf32>,
    }
    %scan3A_6 = arith.constant 625 : i32
    %dma_start3A = arith.constant 0 : i32
    %dma_start3A_7 = tpu.memref_slice %arg3[%dma_start3A] : memref<320000xi32, #tpu.memory_space<hbm>> -> memref<1600xi32, #tpu.memory_space<hbm>>
    %dma_start3A_8 = arith.constant 0 : i32
    %dma_start3A_9 = tpu.memref_slice %arg3[%dma_start3A_8] : memref<320000xi32, #tpu.memory_space<hbm>> -> memref<1600xi32, #tpu.memory_space<hbm>>
    tpu.enqueue_dma source(%dma_start3A_9 : memref<1600xi32, #tpu.memory_space<hbm>>) target(%arg15 : memref<1600xi32, #tpu.memory_space<vmem>>) target_semaphore(%arg19 : memref<!tpu.dma_semaphore, #tpu.memory_space<semaphore_mem>>)
    %dma_start3A_10 = arith.constant 0 : i32
    %dma_start3A_11 = tpu.memref_slice %arg4[%dma_start3A_10] : memref<320000xi32, #tpu.memory_space<hbm>> -> memref<1600xi32, #tpu.memory_space<hbm>>
    %dma_start3A_12 = arith.constant 0 : i32
    %dma_start3A_13 = tpu.memref_slice %arg4[%dma_start3A_12] : memref<320000xi32, #tpu.memory_space<hbm>> -> memref<1600xi32, #tpu.memory_space<hbm>>
    tpu.enqueue_dma source(%dma_start3A_13 : memref<1600xi32, #tpu.memory_space<hbm>>) target(%arg17 : memref<1600xi32, #tpu.memory_space<vmem>>) target_semaphore(%arg19 : memref<!tpu.dma_semaphore, #tpu.memory_space<semaphore_mem>>)
    %scan3A_14 = arith.constant 0 : i32
    %scan3A_15 = arith.constant 0 : i32
    %scan3A_16 = arith.constant 100 : i32
    %scan3A_17 = arith.addi %scan3A_15, %scan3A_16 : i32
    %scan3A_18 = arith.constant 1 : i32
    scf.for %scan3A_27 = %scan3A_15 to %scan3A_17 step %scan3A_18  : i32 {
      %mul3A_28 = arith.constant 2 : i32
      %mul3A_29 = arith.muli %mul3A_28, %scan3A_27 : i32
      %mul3A_30 = arith.constant 1600 : i32
      %mul3A_31 = arith.muli %mul3A_29, %mul3A_30 : i32
      %dma_wait3A = tpu.memref_slice %arg3[%mul3A_31] : memref<320000xi32, #tpu.memory_space<hbm>> -> memref<1600xi32, #tpu.memory_space<hbm>>
      %dma_wait3A_32 = tpu.memref_slice %arg3[%mul3A_31] : memref<320000xi32, #tpu.memory_space<hbm>> -> memref<1600xi32, #tpu.memory_space<hbm>>
      tpu.wait_dma2 semaphore(%arg19 : memref<!tpu.dma_semaphore, #tpu.memory_space<semaphore_mem>>) src(%dma_wait3A_32 : memref<1600xi32, #tpu.memory_space<hbm>>) dst(%arg15 : memref<1600xi32, #tpu.memory_space<vmem>>)
      %mul3A_33 = arith.constant 1600 : i32
      %mul3A_34 = arith.muli %mul3A_29, %mul3A_33 : i32
      %dma_wait3A_35 = tpu.memref_slice %arg4[%mul3A_34] : memref<320000xi32, #tpu.memory_space<hbm>> -> memref<1600xi32, #tpu.memory_space<hbm>>
      %dma_wait3A_36 = tpu.memref_slice %arg4[%mul3A_34] : memref<320000xi32, #tpu.memory_space<hbm>> -> memref<1600xi32, #tpu.memory_space<hbm>>
      tpu.wait_dma2 semaphore(%arg19 : memref<!tpu.dma_semaphore, #tpu.memory_space<semaphore_mem>>) src(%dma_wait3A_36 : memref<1600xi32, #tpu.memory_space<hbm>>) dst(%arg17 : memref<1600xi32, #tpu.memory_space<vmem>>)
      %add3A_37 = arith.constant 1 : i32
      %add3A_38 = arith.addi %mul3A_29, %add3A_37 : i32
      %lt3A = arith.constant 200 : i32
      %lt3A_39 = arith.cmpi slt, %add3A_38, %lt3A : i32
      %convert_element_type3A = arith.extui %lt3A_39 : i1 to i32
      %cond3A = arith.constant 0 : i32
      %cond3A_40 = arith.cmpi ne, %convert_element_type3A, %cond3A : i32
      scf.if %cond3A_40 {
        %add3A_72 = arith.constant 1 : i32
        %add3A_73 = arith.addi %mul3A_29, %add3A_72 : i32
        %mul3A_74 = arith.constant 1600 : i32
        %mul3A_75 = arith.muli %add3A_73, %mul3A_74 : i32
        %dma_start3A_76 = tpu.memref_slice %arg3[%mul3A_75] : memref<320000xi32, #tpu.memory_space<hbm>> -> memref<1600xi32, #tpu.memory_space<hbm>>
        %dma_start3A_77 = tpu.memref_slice %arg3[%mul3A_75] : memref<320000xi32, #tpu.memory_space<hbm>> -> memref<1600xi32, #tpu.memory_space<hbm>>
        tpu.enqueue_dma source(%dma_start3A_77 : memref<1600xi32, #tpu.memory_space<hbm>>) target(%arg16 : memref<1600xi32, #tpu.memory_space<vmem>>) target_semaphore(%arg20 : memref<!tpu.dma_semaphore, #tpu.memory_space<semaphore_mem>>)
        %mul3A_78 = arith.constant 1600 : i32
        %mul3A_79 = arith.muli %add3A_73, %mul3A_78 : i32
        %dma_start3A_80 = tpu.memref_slice %arg4[%mul3A_79] : memref<320000xi32, #tpu.memory_space<hbm>> -> memref<1600xi32, #tpu.memory_space<hbm>>
        %dma_start3A_81 = tpu.memref_slice %arg4[%mul3A_79] : memref<320000xi32, #tpu.memory_space<hbm>> -> memref<1600xi32, #tpu.memory_space<hbm>>
        tpu.enqueue_dma source(%dma_start3A_81 : memref<1600xi32, #tpu.memory_space<hbm>>) target(%arg18 : memref<1600xi32, #tpu.memory_space<vmem>>) target_semaphore(%arg20 : memref<!tpu.dma_semaphore, #tpu.memory_space<semaphore_mem>>)
      } else {
      }
      %scan3A_41 = arith.constant 0 : i32
      %scan3A_42 = arith.constant 0 : i32
      %scan3A_43 = arith.constant 25 : i32
      %scan3A_44 = arith.addi %scan3A_42, %scan3A_43 : i32
      %scan3A_45 = arith.constant 1 : i32
      scf.for %scan3A_72 = %scan3A_42 to %scan3A_44 step %scan3A_45  : i32 {
        %mul3A_73 = arith.constant 4 : i32
        %mul3A_74 = arith.muli %scan3A_72, %mul3A_73 : i32
        %add3A_75 = arith.constant 0 : i32
        %add3A_76 = arith.addi %mul3A_74, %add3A_75 : i32
        %mul3A_77 = arith.constant 16 : i32
        %mul3A_78 = arith.muli %add3A_76, %mul3A_77 : i32
        %get3A = arith.index_cast %mul3A_78 : i32 to index
        %get3A_79 = tpu.vector_load %arg15[%get3A] {strides = array<i32>} : memref<1600xi32, #tpu.memory_space<vmem>>, vector<16xi32>,
        %mul3A_80 = arith.constant 16 : i32
        %mul3A_81 = arith.muli %add3A_76, %mul3A_80 : i32
        %get3A_82 = arith.index_cast %mul3A_81 : i32 to index
        %get3A_83 = tpu.vector_load %arg17[%get3A_82] {strides = array<i32>} : memref<1600xi32, #tpu.memory_space<vmem>>, vector<16xi32>,
        %gather3A = tpu.vector_load_idx %arg6[%get3A_79] : memref<40000xf32, #tpu.memory_space<vmem>>[vector<16xi32>], vector<16xf32>,
        %max3A = arith.constant 0.000000e+00 : f32
        %max3A_84 = vector.broadcast %max3A : f32 to vector<16xf32>
        %max3A_85 = arith.maximumf %gather3A, %max3A_84 : vector<16xf32>
        %add3A_86 = arith.constant 1.000000e-07 : f32
        %add3A_87 = vector.broadcast %add3A_86 : f32 to vector<16xf32>
        %add3A_88 = arith.addf %max3A_85, %add3A_87 : vector<16xf32>
        %exp3A = math.exp %add3A_88 : vector<16xf32>
        %mul3A_89 = arith.mulf %add3A_88, %exp3A : vector<16xf32>
        tpu.vector_store_idx %arg7[%get3A_83], %exp3A {add = true} : memref<10000xf32, #tpu.memory_space<vmem>>[vector<16xi32>], vector<16xf32>,
        tpu.vector_store_idx %arg8[%get3A_83], %mul3A_89 {add = true} : memref<10000xf32, #tpu.memory_space<vmem>>[vector<16xi32>], vector<16xf32>,
        %add3A_90 = arith.constant 10000 : i32
        %add3A_91 = vector.broadcast %add3A_90 : i32 to vector<16xi32>
        %add3A_92 = arith.addi %get3A_79, %add3A_91 : vector<16xi32>
        %gather3A_93 = tpu.vector_load_idx %arg6[%add3A_92] : memref<40000xf32, #tpu.memory_space<vmem>>[vector<16xi32>], vector<16xf32>,
        %max3A_94 = arith.constant 0.000000e+00 : f32
        %max3A_95 = vector.broadcast %max3A_94 : f32 to vector<16xf32>
        %max3A_96 = arith.maximumf %gather3A_93, %max3A_95 : vector<16xf32>
        %add3A_97 = arith.constant 1.000000e-07 : f32
        %add3A_98 = vector.broadcast %add3A_97 : f32 to vector<16xf32>
        %add3A_99 = arith.addf %max3A_96, %add3A_98 : vector<16xf32>
        %exp3A_100 = math.exp %add3A_99 : vector<16xf32>
        %mul3A_101 = arith.mulf %add3A_99, %exp3A_100 : vector<16xf32>
        tpu.vector_store_idx %arg9[%get3A_83], %exp3A_100 {add = true} : memref<10000xf32, #tpu.memory_space<vmem>>[vector<16xi32>], vector<16xf32>,
        tpu.vector_store_idx %arg10[%get3A_83], %mul3A_101 {add = true} : memref<10000xf32, #tpu.memory_space<vmem>>[vector<16xi32>], vector<16xf32>,
        %add3A_102 = arith.constant 20000 : i32
        %add3A_103 = vector.broadcast %add3A_102 : i32 to vector<16xi32>
        %add3A_104 = arith.addi %get3A_79, %add3A_103 : vector<16xi32>
        %gather3A_105 = tpu.vector_load_idx %arg6[%add3A_104] : memref<40000xf32, #tpu.memory_space<vmem>>[vector<16xi32>], vector<16xf32>,
        %max3A_106 = arith.constant 0.000000e+00 : f32
        %max3A_107 = vector.broadcast %max3A_106 : f32 to vector<16xf32>
        %max3A_108 = arith.maximumf %gather3A_105, %max3A_107 : vector<16xf32>
        %add3A_109 = arith.constant 1.000000e-07 : f32
        %add3A_110 = vector.broadcast %add3A_109 : f32 to vector<16xf32>
        %add3A_111 = arith.addf %max3A_108, %add3A_110 : vector<16xf32>
        %exp3A_112 = math.exp %add3A_111 : vector<16xf32>
        %mul3A_113 = arith.mulf %add3A_111, %exp3A_112 : vector<16xf32>
        tpu.vector_store_idx %arg11[%get3A_83], %exp3A_112 {add = true} : memref<10000xf32, #tpu.memory_space<vmem>>[vector<16xi32>], vector<16xf32>,
        tpu.vector_store_idx %arg12[%get3A_83], %mul3A_113 {add = true} : memref<10000xf32, #tpu.memory_space<vmem>>[vector<16xi32>], vector<16xf32>,
        %add3A_114 = arith.constant 30000 : i32
        %add3A_115 = vector.broadcast %add3A_114 : i32 to vector<16xi32>
        %add3A_116 = arith.addi %get3A_79, %add3A_115 : vector<16xi32>
        %gather3A_117 = tpu.vector_load_idx %arg6[%add3A_116] : memref<40000xf32, #tpu.memory_space<vmem>>[vector<16xi32>], vector<16xf32>,
        %max3A_118 = arith.constant 0.000000e+00 : f32
        %max3A_119 = vector.broadcast %max3A_118 : f32 to vector<16xf32>
        %max3A_120 = arith.maximumf %gather3A_117, %max3A_119 : vector<16xf32>
        %add3A_121 = arith.constant 1.000000e-07 : f32
        %add3A_122 = vector.broadcast %add3A_121 : f32 to vector<16xf32>
        %add3A_123 = arith.addf %max3A_120, %add3A_122 : vector<16xf32>
        %exp3A_124 = math.exp %add3A_123 : vector<16xf32>
        %mul3A_125 = arith.mulf %add3A_123, %exp3A_124 : vector<16xf32>
        tpu.vector_store_idx %arg13[%get3A_83], %exp3A_124 {add = true} : memref<10000xf32, #tpu.memory_space<vmem>>[vector<16xi32>], vector<16xf32>,
        tpu.vector_store_idx %arg14[%get3A_83], %mul3A_125 {add = true} : memref<10000xf32, #tpu.memory_space<vmem>>[vector<16xi32>], vector<16xf32>,
        %mul3A_126 = arith.constant 4 : i32
        %mul3A_127 = arith.muli %scan3A_72, %mul3A_126 : i32
        %add3A_128 = arith.constant 1 : i32
        %add3A_129 = arith.addi %mul3A_127, %add3A_128 : i32
        %mul3A_130 = arith.constant 16 : i32
        %mul3A_131 = arith.muli %add3A_129, %mul3A_130 : i32
        %get3A_132 = arith.index_cast %mul3A_131 : i32 to index
        %get3A_133 = tpu.vector_load %arg15[%get3A_132] {strides = array<i32>} : memref<1600xi32, #tpu.memory_space<vmem>>, vector<16xi32>,
        %mul3A_134 = arith.constant 16 : i32
        %mul3A_135 = arith.muli %add3A_129, %mul3A_134 : i32
        %get3A_136 = arith.index_cast %mul3A_135 : i32 to index
        %get3A_137 = tpu.vector_load %arg17[%get3A_136] {strides = array<i32>} : memref<1600xi32, #tpu.memory_space<vmem>>, vector<16xi32>,
        %gather3A_138 = tpu.vector_load_idx %arg6[%get3A_133] : memref<40000xf32, #tpu.memory_space<vmem>>[vector<16xi32>], vector<16xf32>,
        %max3A_139 = arith.constant 0.000000e+00 : f32
        %max3A_140 = vector.broadcast %max3A_139 : f32 to vector<16xf32>
        %max3A_141 = arith.maximumf %gather3A_138, %max3A_140 : vector<16xf32>
        %add3A_142 = arith.constant 1.000000e-07 : f32
        %add3A_143 = vector.broadcast %add3A_142 : f32 to vector<16xf32>
        %add3A_144 = arith.addf %max3A_141, %add3A_143 : vector<16xf32>
        %exp3A_145 = math.exp %add3A_144 : vector<16xf32>
        %mul3A_146 = arith.mulf %add3A_144, %exp3A_145 : vector<16xf32>
        tpu.vector_store_idx %arg7[%get3A_137], %exp3A_145 {add = true} : memref<10000xf32, #tpu.memory_space<vmem>>[vector<16xi32>], vector<16xf32>,
        tpu.vector_store_idx %arg8[%get3A_137], %mul3A_146 {add = true} : memref<10000xf32, #tpu.memory_space<vmem>>[vector<16xi32>], vector<16xf32>,
        %add3A_147 = arith.constant 10000 : i32
        %add3A_148 = vector.broadcast %add3A_147 : i32 to vector<16xi32>
        %add3A_149 = arith.addi %get3A_133, %add3A_148 : vector<16xi32>
        %gather3A_150 = tpu.vector_load_idx %arg6[%add3A_149] : memref<40000xf32, #tpu.memory_space<vmem>>[vector<16xi32>], vector<16xf32>,
        %max3A_151 = arith.constant 0.000000e+00 : f32
        %max3A_152 = vector.broadcast %max3A_151 : f32 to vector<16xf32>
        %max3A_153 = arith.maximumf %gather3A_150, %max3A_152 : vector<16xf32>
        %add3A_154 = arith.constant 1.000000e-07 : f32
        %add3A_155 = vector.broadcast %add3A_154 : f32 to vector<16xf32>
        %add3A_156 = arith.addf %max3A_153, %add3A_155 : vector<16xf32>
        %exp3A_157 = math.exp %add3A_156 : vector<16xf32>
        %mul3A_158 = arith.mulf %add3A_156, %exp3A_157 : vector<16xf32>
        tpu.vector_store_idx %arg9[%get3A_137], %exp3A_157 {add = true} : memref<10000xf32, #tpu.memory_space<vmem>>[vector<16xi32>], vector<16xf32>,
        tpu.vector_store_idx %arg10[%get3A_137], %mul3A_158 {add = true} : memref<10000xf32, #tpu.memory_space<vmem>>[vector<16xi32>], vector<16xf32>,
        %add3A_159 = arith.constant 20000 : i32
        %add3A_160 = vector.broadcast %add3A_159 : i32 to vector<16xi32>
        %add3A_161 = arith.addi %get3A_133, %add3A_160 : vector<16xi32>
        %gather3A_162 = tpu.vector_load_idx %arg6[%add3A_161] : memref<40000xf32, #tpu.memory_space<vmem>>[vector<16xi32>], vector<16xf32>,
        %max3A_163 = arith.constant 0.000000e+00 : f32
        %max3A_164 = vector.broadcast %max3A_163 : f32 to vector<16xf32>
        %max3A_165 = arith.maximumf %gather3A_162, %max3A_164 : vector<16xf32>
        %add3A_166 = arith.constant 1.000000e-07 : f32
        %add3A_167 = vector.broadcast %add3A_166 : f32 to vector<16xf32>
        %add3A_168 = arith.addf %max3A_165, %add3A_167 : vector<16xf32>
        %exp3A_169 = math.exp %add3A_168 : vector<16xf32>
        %mul3A_170 = arith.mulf %add3A_168, %exp3A_169 : vector<16xf32>
        tpu.vector_store_idx %arg11[%get3A_137], %exp3A_169 {add = true} : memref<10000xf32, #tpu.memory_space<vmem>>[vector<16xi32>], vector<16xf32>,
        tpu.vector_store_idx %arg12[%get3A_137], %mul3A_170 {add = true} : memref<10000xf32, #tpu.memory_space<vmem>>[vector<16xi32>], vector<16xf32>,
        %add3A_171 = arith.constant 30000 : i32
        %add3A_172 = vector.broadcast %add3A_171 : i32 to vector<16xi32>
        %add3A_173 = arith.addi %get3A_133, %add3A_172 : vector<16xi32>
        %gather3A_174 = tpu.vector_load_idx %arg6[%add3A_173] : memref<40000xf32, #tpu.memory_space<vmem>>[vector<16xi32>], vector<16xf32>,
        %max3A_175 = arith.constant 0.000000e+00 : f32
        %max3A_176 = vector.broadcast %max3A_175 : f32 to vector<16xf32>
        %max3A_177 = arith.maximumf %gather3A_174, %max3A_176 : vector<16xf32>
        %add3A_178 = arith.constant 1.000000e-07 : f32
        %add3A_179 = vector.broadcast %add3A_178 : f32 to vector<16xf32>
        %add3A_180 = arith.addf %max3A_177, %add3A_179 : vector<16xf32>
        %exp3A_181 = math.exp %add3A_180 : vector<16xf32>
        %mul3A_182 = arith.mulf %add3A_180, %exp3A_181 : vector<16xf32>
        tpu.vector_store_idx %arg13[%get3A_137], %exp3A_181 {add = true} : memref<10000xf32, #tpu.memory_space<vmem>>[vector<16xi32>], vector<16xf32>,
        tpu.vector_store_idx %arg14[%get3A_137], %mul3A_182 {add = true} : memref<10000xf32, #tpu.memory_space<vmem>>[vector<16xi32>], vector<16xf32>,
        %mul3A_183 = arith.constant 4 : i32
        %mul3A_184 = arith.muli %scan3A_72, %mul3A_183 : i32
        %add3A_185 = arith.constant 2 : i32
        %add3A_186 = arith.addi %mul3A_184, %add3A_185 : i32
        %mul3A_187 = arith.constant 16 : i32
        %mul3A_188 = arith.muli %add3A_186, %mul3A_187 : i32
        %get3A_189 = arith.index_cast %mul3A_188 : i32 to index
        %get3A_190 = tpu.vector_load %arg15[%get3A_189] {strides = array<i32>} : memref<1600xi32, #tpu.memory_space<vmem>>, vector<16xi32>,
        %mul3A_191 = arith.constant 16 : i32
        %mul3A_192 = arith.muli %add3A_186, %mul3A_191 : i32
        %get3A_193 = arith.index_cast %mul3A_192 : i32 to index
        %get3A_194 = tpu.vector_load %arg17[%get3A_193] {strides = array<i32>} : memref<1600xi32, #tpu.memory_space<vmem>>, vector<16xi32>,
        %gather3A_195 = tpu.vector_load_idx %arg6[%get3A_190] : memref<40000xf32, #tpu.memory_space<vmem>>[vector<16xi32>], vector<16xf32>,
        %max3A_196 = arith.constant 0.000000e+00 : f32
        %max3A_197 = vector.broadcast %max3A_196 : f32 to vector<16xf32>
        %max3A_198 = arith.maximumf %gather3A_195, %max3A_197 : vector<16xf32>
        %add3A_199 = arith.constant 1.000000e-07 : f32
        %add3A_200 = vector.broadcast %add3A_199 : f32 to vector<16xf32>
        %add3A_201 = arith.addf %max3A_198, %add3A_200 : vector<16xf32>
        %exp3A_202 = math.exp %add3A_201 : vector<16xf32>
        %mul3A_203 = arith.mulf %add3A_201, %exp3A_202 : vector<16xf32>
        tpu.vector_store_idx %arg7[%get3A_194], %exp3A_202 {add = true} : memref<10000xf32, #tpu.memory_space<vmem>>[vector<16xi32>], vector<16xf32>,
        tpu.vector_store_idx %arg8[%get3A_194], %mul3A_203 {add = true} : memref<10000xf32, #tpu.memory_space<vmem>>[vector<16xi32>], vector<16xf32>,
        %add3A_204 = arith.constant 10000 : i32
        %add3A_205 = vector.broadcast %add3A_204 : i32 to vector<16xi32>
        %add3A_206 = arith.addi %get3A_190, %add3A_205 : vector<16xi32>
        %gather3A_207 = tpu.vector_load_idx %arg6[%add3A_206] : memref<40000xf32, #tpu.memory_space<vmem>>[vector<16xi32>], vector<16xf32>,
        %max3A_208 = arith.constant 0.000000e+00 : f32
        %max3A_209 = vector.broadcast %max3A_208 : f32 to vector<16xf32>
        %max3A_210 = arith.maximumf %gather3A_207, %max3A_209 : vector<16xf32>
        %add3A_211 = arith.constant 1.000000e-07 : f32
        %add3A_212 = vector.broadcast %add3A_211 : f32 to vector<16xf32>
        %add3A_213 = arith.addf %max3A_210, %add3A_212 : vector<16xf32>
        %exp3A_214 = math.exp %add3A_213 : vector<16xf32>
        %mul3A_215 = arith.mulf %add3A_213, %exp3A_214 : vector<16xf32>
        tpu.vector_store_idx %arg9[%get3A_194], %exp3A_214 {add = true} : memref<10000xf32, #tpu.memory_space<vmem>>[vector<16xi32>], vector<16xf32>,
        tpu.vector_store_idx %arg10[%get3A_194], %mul3A_215 {add = true} : memref<10000xf32, #tpu.memory_space<vmem>>[vector<16xi32>], vector<16xf32>,
        %add3A_216 = arith.constant 20000 : i32
        %add3A_217 = vector.broadcast %add3A_216 : i32 to vector<16xi32>
        %add3A_218 = arith.addi %get3A_190, %add3A_217 : vector<16xi32>
        %gather3A_219 = tpu.vector_load_idx %arg6[%add3A_218] : memref<40000xf32, #tpu.memory_space<vmem>>[vector<16xi32>], vector<16xf32>,
        %max3A_220 = arith.constant 0.000000e+00 : f32
        %max3A_221 = vector.broadcast %max3A_220 : f32 to vector<16xf32>
        %max3A_222 = arith.maximumf %gather3A_219, %max3A_221 : vector<16xf32>
        %add3A_223 = arith.constant 1.000000e-07 : f32
        %add3A_224 = vector.broadcast %add3A_223 : f32 to vector<16xf32>
        %add3A_225 = arith.addf %max3A_222, %add3A_224 : vector<16xf32>
        %exp3A_226 = math.exp %add3A_225 : vector<16xf32>
        %mul3A_227 = arith.mulf %add3A_225, %exp3A_226 : vector<16xf32>
        tpu.vector_store_idx %arg11[%get3A_194], %exp3A_226 {add = true} : memref<10000xf32, #tpu.memory_space<vmem>>[vector<16xi32>], vector<16xf32>,
        tpu.vector_store_idx %arg12[%get3A_194], %mul3A_227 {add = true} : memref<10000xf32, #tpu.memory_space<vmem>>[vector<16xi32>], vector<16xf32>,
        %add3A_228 = arith.constant 30000 : i32
        %add3A_229 = vector.broadcast %add3A_228 : i32 to vector<16xi32>
        %add3A_230 = arith.addi %get3A_190, %add3A_229 : vector<16xi32>
        %gather3A_231 = tpu.vector_load_idx %arg6[%add3A_230] : memref<40000xf32, #tpu.memory_space<vmem>>[vector<16xi32>], vector<16xf32>,
        %max3A_232 = arith.constant 0.000000e+00 : f32
        %max3A_233 = vector.broadcast %max3A_232 : f32 to vector<16xf32>
        %max3A_234 = arith.maximumf %gather3A_231, %max3A_233 : vector<16xf32>
        %add3A_235 = arith.constant 1.000000e-07 : f32
        %add3A_236 = vector.broadcast %add3A_235 : f32 to vector<16xf32>
        %add3A_237 = arith.addf %max3A_234, %add3A_236 : vector<16xf32>
        %exp3A_238 = math.exp %add3A_237 : vector<16xf32>
        %mul3A_239 = arith.mulf %add3A_237, %exp3A_238 : vector<16xf32>
        tpu.vector_store_idx %arg13[%get3A_194], %exp3A_238 {add = true} : memref<10000xf32, #tpu.memory_space<vmem>>[vector<16xi32>], vector<16xf32>,
        tpu.vector_store_idx %arg14[%get3A_194], %mul3A_239 {add = true} : memref<10000xf32, #tpu.memory_space<vmem>>[vector<16xi32>], vector<16xf32>,
        %mul3A_240 = arith.constant 4 : i32
        %mul3A_241 = arith.muli %scan3A_72, %mul3A_240 : i32
        %add3A_242 = arith.constant 3 : i32
        %add3A_243 = arith.addi %mul3A_241, %add3A_242 : i32
        %mul3A_244 = arith.constant 16 : i32
        %mul3A_245 = arith.muli %add3A_243, %mul3A_244 : i32
        %get3A_246 = arith.index_cast %mul3A_245 : i32 to index
        %get3A_247 = tpu.vector_load %arg15[%get3A_246] {strides = array<i32>} : memref<1600xi32, #tpu.memory_space<vmem>>, vector<16xi32>,
        %mul3A_248 = arith.constant 16 : i32
        %mul3A_249 = arith.muli %add3A_243, %mul3A_248 : i32
        %get3A_250 = arith.index_cast %mul3A_249 : i32 to index
        %get3A_251 = tpu.vector_load %arg17[%get3A_250] {strides = array<i32>} : memref<1600xi32, #tpu.memory_space<vmem>>, vector<16xi32>,
        %gather3A_252 = tpu.vector_load_idx %arg6[%get3A_247] : memref<40000xf32, #tpu.memory_space<vmem>>[vector<16xi32>], vector<16xf32>,
        %max3A_253 = arith.constant 0.000000e+00 : f32
        %max3A_254 = vector.broadcast %max3A_253 : f32 to vector<16xf32>
        %max3A_255 = arith.maximumf %gather3A_252, %max3A_254 : vector<16xf32>
        %add3A_256 = arith.constant 1.000000e-07 : f32
        %add3A_257 = vector.broadcast %add3A_256 : f32 to vector<16xf32>
        %add3A_258 = arith.addf %max3A_255, %add3A_257 : vector<16xf32>
        %exp3A_259 = math.exp %add3A_258 : vector<16xf32>
        %mul3A_260 = arith.mulf %add3A_258, %exp3A_259 : vector<16xf32>
        tpu.vector_store_idx %arg7[%get3A_251], %exp3A_259 {add = true} : memref<10000xf32, #tpu.memory_space<vmem>>[vector<16xi32>], vector<16xf32>,
        tpu.vector_store_idx %arg8[%get3A_251], %mul3A_260 {add = true} : memref<10000xf32, #tpu.memory_space<vmem>>[vector<16xi32>], vector<16xf32>,
        %add3A_261 = arith.constant 10000 : i32
        %add3A_262 = vector.broadcast %add3A_261 : i32 to vector<16xi32>
        %add3A_263 = arith.addi %get3A_247, %add3A_262 : vector<16xi32>
        %gather3A_264 = tpu.vector_load_idx %arg6[%add3A_263] : memref<40000xf32, #tpu.memory_space<vmem>>[vector<16xi32>], vector<16xf32>,
        %max3A_265 = arith.constant 0.000000e+00 : f32
        %max3A_266 = vector.broadcast %max3A_265 : f32 to vector<16xf32>
        %max3A_267 = arith.maximumf %gather3A_264, %max3A_266 : vector<16xf32>
        %add3A_268 = arith.constant 1.000000e-07 : f32
        %add3A_269 = vector.broadcast %add3A_268 : f32 to vector<16xf32>
        %add3A_270 = arith.addf %max3A_267, %add3A_269 : vector<16xf32>
        %exp3A_271 = math.exp %add3A_270 : vector<16xf32>
        %mul3A_272 = arith.mulf %add3A_270, %exp3A_271 : vector<16xf32>
        tpu.vector_store_idx %arg9[%get3A_251], %exp3A_271 {add = true} : memref<10000xf32, #tpu.memory_space<vmem>>[vector<16xi32>], vector<16xf32>,
        tpu.vector_store_idx %arg10[%get3A_251], %mul3A_272 {add = true} : memref<10000xf32, #tpu.memory_space<vmem>>[vector<16xi32>], vector<16xf32>,
        %add3A_273 = arith.constant 20000 : i32
        %add3A_274 = vector.broadcast %add3A_273 : i32 to vector<16xi32>
        %add3A_275 = arith.addi %get3A_247, %add3A_274 : vector<16xi32>
        %gather3A_276 = tpu.vector_load_idx %arg6[%add3A_275] : memref<40000xf32, #tpu.memory_space<vmem>>[vector<16xi32>], vector<16xf32>,
        %max3A_277 = arith.constant 0.000000e+00 : f32
        %max3A_278 = vector.broadcast %max3A_277 : f32 to vector<16xf32>
        %max3A_279 = arith.maximumf %gather3A_276, %max3A_278 : vector<16xf32>
        %add3A_280 = arith.constant 1.000000e-07 : f32
        %add3A_281 = vector.broadcast %add3A_280 : f32 to vector<16xf32>
        %add3A_282 = arith.addf %max3A_279, %add3A_281 : vector<16xf32>
        %exp3A_283 = math.exp %add3A_282 : vector<16xf32>
        %mul3A_284 = arith.mulf %add3A_282, %exp3A_283 : vector<16xf32>
        tpu.vector_store_idx %arg11[%get3A_251], %exp3A_283 {add = true} : memref<10000xf32, #tpu.memory_space<vmem>>[vector<16xi32>], vector<16xf32>,
        tpu.vector_store_idx %arg12[%get3A_251], %mul3A_284 {add = true} : memref<10000xf32, #tpu.memory_space<vmem>>[vector<16xi32>], vector<16xf32>,
        %add3A_285 = arith.constant 30000 : i32
        %add3A_286 = vector.broadcast %add3A_285 : i32 to vector<16xi32>
        %add3A_287 = arith.addi %get3A_247, %add3A_286 : vector<16xi32>
        %gather3A_288 = tpu.vector_load_idx %arg6[%add3A_287] : memref<40000xf32, #tpu.memory_space<vmem>>[vector<16xi32>], vector<16xf32>,
        %max3A_289 = arith.constant 0.000000e+00 : f32
        %max3A_290 = vector.broadcast %max3A_289 : f32 to vector<16xf32>
        %max3A_291 = arith.maximumf %gather3A_288, %max3A_290 : vector<16xf32>
        %add3A_292 = arith.constant 1.000000e-07 : f32
        %add3A_293 = vector.broadcast %add3A_292 : f32 to vector<16xf32>
        %add3A_294 = arith.addf %max3A_291, %add3A_293 : vector<16xf32>
        %exp3A_295 = math.exp %add3A_294 : vector<16xf32>
        %mul3A_296 = arith.mulf %add3A_294, %exp3A_295 : vector<16xf32>
        tpu.vector_store_idx %arg13[%get3A_251], %exp3A_295 {add = true} : memref<10000xf32, #tpu.memory_space<vmem>>[vector<16xi32>], vector<16xf32>,
        tpu.vector_store_idx %arg14[%get3A_251], %mul3A_296 {add = true} : memref<10000xf32, #tpu.memory_space<vmem>>[vector<16xi32>], vector<16xf32>,
      }
      %scan3A_46 = arith.constant 25 : i32
      %mul3A_47 = arith.constant 2 : i32
      %mul3A_48 = arith.muli %mul3A_47, %scan3A_27 : i32
      %add3A_49 = arith.constant 1 : i32
      %add3A_50 = arith.addi %mul3A_48, %add3A_49 : i32
      %mul3A_51 = arith.constant 1600 : i32
      %mul3A_52 = arith.muli %add3A_50, %mul3A_51 : i32
      %dma_wait3A_53 = tpu.memref_slice %arg3[%mul3A_52] : memref<320000xi32, #tpu.memory_space<hbm>> -> memref<1600xi32, #tpu.memory_space<hbm>>
      %dma_wait3A_54 = tpu.memref_slice %arg3[%mul3A_52] : memref<320000xi32, #tpu.memory_space<hbm>> -> memref<1600xi32, #tpu.memory_space<hbm>>
      tpu.wait_dma2 semaphore(%arg20 : memref<!tpu.dma_semaphore, #tpu.memory_space<semaphore_mem>>) src(%dma_wait3A_54 : memref<1600xi32, #tpu.memory_space<hbm>>) dst(%arg16 : memref<1600xi32, #tpu.memory_space<vmem>>)
      %mul3A_55 = arith.constant 1600 : i32
      %mul3A_56 = arith.muli %add3A_50, %mul3A_55 : i32
      %dma_wait3A_57 = tpu.memref_slice %arg4[%mul3A_56] : memref<320000xi32, #tpu.memory_space<hbm>> -> memref<1600xi32, #tpu.memory_space<hbm>>
      %dma_wait3A_58 = tpu.memref_slice %arg4[%mul3A_56] : memref<320000xi32, #tpu.memory_space<hbm>> -> memref<1600xi32, #tpu.memory_space<hbm>>
      tpu.wait_dma2 semaphore(%arg20 : memref<!tpu.dma_semaphore, #tpu.memory_space<semaphore_mem>>) src(%dma_wait3A_58 : memref<1600xi32, #tpu.memory_space<hbm>>) dst(%arg18 : memref<1600xi32, #tpu.memory_space<vmem>>)
      %add3A_59 = arith.constant 1 : i32
      %add3A_60 = arith.addi %add3A_50, %add3A_59 : i32
      %lt3A_61 = arith.constant 200 : i32
      %lt3A_62 = arith.cmpi slt, %add3A_60, %lt3A_61 : i32
      %convert_element_type3A_63 = arith.extui %lt3A_62 : i1 to i32
      %cond3A_64 = arith.constant 0 : i32
      %cond3A_65 = arith.cmpi ne, %convert_element_type3A_63, %cond3A_64 : i32
      scf.if %cond3A_65 {
        %add3A_72 = arith.constant 1 : i32
        %add3A_73 = arith.addi %add3A_50, %add3A_72 : i32
        %mul3A_74 = arith.constant 1600 : i32
        %mul3A_75 = arith.muli %add3A_73, %mul3A_74 : i32
        %dma_start3A_76 = tpu.memref_slice %arg3[%mul3A_75] : memref<320000xi32, #tpu.memory_space<hbm>> -> memref<1600xi32, #tpu.memory_space<hbm>>
        %dma_start3A_77 = tpu.memref_slice %arg3[%mul3A_75] : memref<320000xi32, #tpu.memory_space<hbm>> -> memref<1600xi32, #tpu.memory_space<hbm>>
        tpu.enqueue_dma source(%dma_start3A_77 : memref<1600xi32, #tpu.memory_space<hbm>>) target(%arg15 : memref<1600xi32, #tpu.memory_space<vmem>>) target_semaphore(%arg19 : memref<!tpu.dma_semaphore, #tpu.memory_space<semaphore_mem>>)
        %mul3A_78 = arith.constant 1600 : i32
        %mul3A_79 = arith.muli %add3A_73, %mul3A_78 : i32
        %dma_start3A_80 = tpu.memref_slice %arg4[%mul3A_79] : memref<320000xi32, #tpu.memory_space<hbm>> -> memref<1600xi32, #tpu.memory_space<hbm>>
        %dma_start3A_81 = tpu.memref_slice %arg4[%mul3A_79] : memref<320000xi32, #tpu.memory_space<hbm>> -> memref<1600xi32, #tpu.memory_space<hbm>>
        tpu.enqueue_dma source(%dma_start3A_81 : memref<1600xi32, #tpu.memory_space<hbm>>) target(%arg17 : memref<1600xi32, #tpu.memory_space<vmem>>) target_semaphore(%arg19 : memref<!tpu.dma_semaphore, #tpu.memory_space<semaphore_mem>>)
      } else {
      }
      %scan3A_66 = arith.constant 0 : i32
      %scan3A_67 = arith.constant 0 : i32
      %scan3A_68 = arith.constant 25 : i32
      %scan3A_69 = arith.addi %scan3A_67, %scan3A_68 : i32
      %scan3A_70 = arith.constant 1 : i32
      scf.for %scan3A_72 = %scan3A_67 to %scan3A_69 step %scan3A_70  : i32 {
        %mul3A_73 = arith.constant 4 : i32
        %mul3A_74 = arith.muli %scan3A_72, %mul3A_73 : i32
        %add3A_75 = arith.constant 0 : i32
        %add3A_76 = arith.addi %mul3A_74, %add3A_75 : i32
        %mul3A_77 = arith.constant 16 : i32
        %mul3A_78 = arith.muli %add3A_76, %mul3A_77 : i32
        %get3A = arith.index_cast %mul3A_78 : i32 to index
        %get3A_79 = tpu.vector_load %arg16[%get3A] {strides = array<i32>} : memref<1600xi32, #tpu.memory_space<vmem>>, vector<16xi32>,
        %mul3A_80 = arith.constant 16 : i32
        %mul3A_81 = arith.muli %add3A_76, %mul3A_80 : i32
        %get3A_82 = arith.index_cast %mul3A_81 : i32 to index
        %get3A_83 = tpu.vector_load %arg18[%get3A_82] {strides = array<i32>} : memref<1600xi32, #tpu.memory_space<vmem>>, vector<16xi32>,
        %gather3A = tpu.vector_load_idx %arg6[%get3A_79] : memref<40000xf32, #tpu.memory_space<vmem>>[vector<16xi32>], vector<16xf32>,
        %max3A = arith.constant 0.000000e+00 : f32
        %max3A_84 = vector.broadcast %max3A : f32 to vector<16xf32>
        %max3A_85 = arith.maximumf %gather3A, %max3A_84 : vector<16xf32>
        %add3A_86 = arith.constant 1.000000e-07 : f32
        %add3A_87 = vector.broadcast %add3A_86 : f32 to vector<16xf32>
        %add3A_88 = arith.addf %max3A_85, %add3A_87 : vector<16xf32>
        %exp3A = math.exp %add3A_88 : vector<16xf32>
        %mul3A_89 = arith.mulf %add3A_88, %exp3A : vector<16xf32>
        tpu.vector_store_idx %arg7[%get3A_83], %exp3A {add = true} : memref<10000xf32, #tpu.memory_space<vmem>>[vector<16xi32>], vector<16xf32>,
        tpu.vector_store_idx %arg8[%get3A_83], %mul3A_89 {add = true} : memref<10000xf32, #tpu.memory_space<vmem>>[vector<16xi32>], vector<16xf32>,
        %add3A_90 = arith.constant 10000 : i32
        %add3A_91 = vector.broadcast %add3A_90 : i32 to vector<16xi32>
        %add3A_92 = arith.addi %get3A_79, %add3A_91 : vector<16xi32>
        %gather3A_93 = tpu.vector_load_idx %arg6[%add3A_92] : memref<40000xf32, #tpu.memory_space<vmem>>[vector<16xi32>], vector<16xf32>,
        %max3A_94 = arith.constant 0.000000e+00 : f32
        %max3A_95 = vector.broadcast %max3A_94 : f32 to vector<16xf32>
        %max3A_96 = arith.maximumf %gather3A_93, %max3A_95 : vector<16xf32>
        %add3A_97 = arith.constant 1.000000e-07 : f32
        %add3A_98 = vector.broadcast %add3A_97 : f32 to vector<16xf32>
        %add3A_99 = arith.addf %max3A_96, %add3A_98 : vector<16xf32>
        %exp3A_100 = math.exp %add3A_99 : vector<16xf32>
        %mul3A_101 = arith.mulf %add3A_99, %exp3A_100 : vector<16xf32>
        tpu.vector_store_idx %arg9[%get3A_83], %exp3A_100 {add = true} : memref<10000xf32, #tpu.memory_space<vmem>>[vector<16xi32>], vector<16xf32>,
        tpu.vector_store_idx %arg10[%get3A_83], %mul3A_101 {add = true} : memref<10000xf32, #tpu.memory_space<vmem>>[vector<16xi32>], vector<16xf32>,
        %add3A_102 = arith.constant 20000 : i32
        %add3A_103 = vector.broadcast %add3A_102 : i32 to vector<16xi32>
        %add3A_104 = arith.addi %get3A_79, %add3A_103 : vector<16xi32>
        %gather3A_105 = tpu.vector_load_idx %arg6[%add3A_104] : memref<40000xf32, #tpu.memory_space<vmem>>[vector<16xi32>], vector<16xf32>,
        %max3A_106 = arith.constant 0.000000e+00 : f32
        %max3A_107 = vector.broadcast %max3A_106 : f32 to vector<16xf32>
        %max3A_108 = arith.maximumf %gather3A_105, %max3A_107 : vector<16xf32>
        %add3A_109 = arith.constant 1.000000e-07 : f32
        %add3A_110 = vector.broadcast %add3A_109 : f32 to vector<16xf32>
        %add3A_111 = arith.addf %max3A_108, %add3A_110 : vector<16xf32>
        %exp3A_112 = math.exp %add3A_111 : vector<16xf32>
        %mul3A_113 = arith.mulf %add3A_111, %exp3A_112 : vector<16xf32>
        tpu.vector_store_idx %arg11[%get3A_83], %exp3A_112 {add = true} : memref<10000xf32, #tpu.memory_space<vmem>>[vector<16xi32>], vector<16xf32>,
        tpu.vector_store_idx %arg12[%get3A_83], %mul3A_113 {add = true} : memref<10000xf32, #tpu.memory_space<vmem>>[vector<16xi32>], vector<16xf32>,
        %add3A_114 = arith.constant 30000 : i32
        %add3A_115 = vector.broadcast %add3A_114 : i32 to vector<16xi32>
        %add3A_116 = arith.addi %get3A_79, %add3A_115 : vector<16xi32>
        %gather3A_117 = tpu.vector_load_idx %arg6[%add3A_116] : memref<40000xf32, #tpu.memory_space<vmem>>[vector<16xi32>], vector<16xf32>,
        %max3A_118 = arith.constant 0.000000e+00 : f32
        %max3A_119 = vector.broadcast %max3A_118 : f32 to vector<16xf32>
        %max3A_120 = arith.maximumf %gather3A_117, %max3A_119 : vector<16xf32>
        %add3A_121 = arith.constant 1.000000e-07 : f32
        %add3A_122 = vector.broadcast %add3A_121 : f32 to vector<16xf32>
        %add3A_123 = arith.addf %max3A_120, %add3A_122 : vector<16xf32>
        %exp3A_124 = math.exp %add3A_123 : vector<16xf32>
        %mul3A_125 = arith.mulf %add3A_123, %exp3A_124 : vector<16xf32>
        tpu.vector_store_idx %arg13[%get3A_83], %exp3A_124 {add = true} : memref<10000xf32, #tpu.memory_space<vmem>>[vector<16xi32>], vector<16xf32>,
        tpu.vector_store_idx %arg14[%get3A_83], %mul3A_125 {add = true} : memref<10000xf32, #tpu.memory_space<vmem>>[vector<16xi32>], vector<16xf32>,
        %mul3A_126 = arith.constant 4 : i32
        %mul3A_127 = arith.muli %scan3A_72, %mul3A_126 : i32
        %add3A_128 = arith.constant 1 : i32
        %add3A_129 = arith.addi %mul3A_127, %add3A_128 : i32
        %mul3A_130 = arith.constant 16 : i32
        %mul3A_131 = arith.muli %add3A_129, %mul3A_130 : i32
        %get3A_132 = arith.index_cast %mul3A_131 : i32 to index
        %get3A_133 = tpu.vector_load %arg16[%get3A_132] {strides = array<i32>} : memref<1600xi32, #tpu.memory_space<vmem>>, vector<16xi32>,
        %mul3A_134 = arith.constant 16 : i32
        %mul3A_135 = arith.muli %add3A_129, %mul3A_134 : i32
        %get3A_136 = arith.index_cast %mul3A_135 : i32 to index
        %get3A_137 = tpu.vector_load %arg18[%get3A_136] {strides = array<i32>} : memref<1600xi32, #tpu.memory_space<vmem>>, vector<16xi32>,
        %gather3A_138 = tpu.vector_load_idx %arg6[%get3A_133] : memref<40000xf32, #tpu.memory_space<vmem>>[vector<16xi32>], vector<16xf32>,
        %max3A_139 = arith.constant 0.000000e+00 : f32
        %max3A_140 = vector.broadcast %max3A_139 : f32 to vector<16xf32>
        %max3A_141 = arith.maximumf %gather3A_138, %max3A_140 : vector<16xf32>
        %add3A_142 = arith.constant 1.000000e-07 : f32
        %add3A_143 = vector.broadcast %add3A_142 : f32 to vector<16xf32>
        %add3A_144 = arith.addf %max3A_141, %add3A_143 : vector<16xf32>
        %exp3A_145 = math.exp %add3A_144 : vector<16xf32>
        %mul3A_146 = arith.mulf %add3A_144, %exp3A_145 : vector<16xf32>
        tpu.vector_store_idx %arg7[%get3A_137], %exp3A_145 {add = true} : memref<10000xf32, #tpu.memory_space<vmem>>[vector<16xi32>], vector<16xf32>,
        tpu.vector_store_idx %arg8[%get3A_137], %mul3A_146 {add = true} : memref<10000xf32, #tpu.memory_space<vmem>>[vector<16xi32>], vector<16xf32>,
        %add3A_147 = arith.constant 10000 : i32
        %add3A_148 = vector.broadcast %add3A_147 : i32 to vector<16xi32>
        %add3A_149 = arith.addi %get3A_133, %add3A_148 : vector<16xi32>
        %gather3A_150 = tpu.vector_load_idx %arg6[%add3A_149] : memref<40000xf32, #tpu.memory_space<vmem>>[vector<16xi32>], vector<16xf32>,
        %max3A_151 = arith.constant 0.000000e+00 : f32
        %max3A_152 = vector.broadcast %max3A_151 : f32 to vector<16xf32>
        %max3A_153 = arith.maximumf %gather3A_150, %max3A_152 : vector<16xf32>
        %add3A_154 = arith.constant 1.000000e-07 : f32
        %add3A_155 = vector.broadcast %add3A_154 : f32 to vector<16xf32>
        %add3A_156 = arith.addf %max3A_153, %add3A_155 : vector<16xf32>
        %exp3A_157 = math.exp %add3A_156 : vector<16xf32>
        %mul3A_158 = arith.mulf %add3A_156, %exp3A_157 : vector<16xf32>
        tpu.vector_store_idx %arg9[%get3A_137], %exp3A_157 {add = true} : memref<10000xf32, #tpu.memory_space<vmem>>[vector<16xi32>], vector<16xf32>,
        tpu.vector_store_idx %arg10[%get3A_137], %mul3A_158 {add = true} : memref<10000xf32, #tpu.memory_space<vmem>>[vector<16xi32>], vector<16xf32>,
        %add3A_159 = arith.constant 20000 : i32
        %add3A_160 = vector.broadcast %add3A_159 : i32 to vector<16xi32>
        %add3A_161 = arith.addi %get3A_133, %add3A_160 : vector<16xi32>
        %gather3A_162 = tpu.vector_load_idx %arg6[%add3A_161] : memref<40000xf32, #tpu.memory_space<vmem>>[vector<16xi32>], vector<16xf32>,
        %max3A_163 = arith.constant 0.000000e+00 : f32
        %max3A_164 = vector.broadcast %max3A_163 : f32 to vector<16xf32>
        %max3A_165 = arith.maximumf %gather3A_162, %max3A_164 : vector<16xf32>
        %add3A_166 = arith.constant 1.000000e-07 : f32
        %add3A_167 = vector.broadcast %add3A_166 : f32 to vector<16xf32>
        %add3A_168 = arith.addf %max3A_165, %add3A_167 : vector<16xf32>
        %exp3A_169 = math.exp %add3A_168 : vector<16xf32>
        %mul3A_170 = arith.mulf %add3A_168, %exp3A_169 : vector<16xf32>
        tpu.vector_store_idx %arg11[%get3A_137], %exp3A_169 {add = true} : memref<10000xf32, #tpu.memory_space<vmem>>[vector<16xi32>], vector<16xf32>,
        tpu.vector_store_idx %arg12[%get3A_137], %mul3A_170 {add = true} : memref<10000xf32, #tpu.memory_space<vmem>>[vector<16xi32>], vector<16xf32>,
        %add3A_171 = arith.constant 30000 : i32
        %add3A_172 = vector.broadcast %add3A_171 : i32 to vector<16xi32>
        %add3A_173 = arith.addi %get3A_133, %add3A_172 : vector<16xi32>
        %gather3A_174 = tpu.vector_load_idx %arg6[%add3A_173] : memref<40000xf32, #tpu.memory_space<vmem>>[vector<16xi32>], vector<16xf32>,
        %max3A_175 = arith.constant 0.000000e+00 : f32
        %max3A_176 = vector.broadcast %max3A_175 : f32 to vector<16xf32>
        %max3A_177 = arith.maximumf %gather3A_174, %max3A_176 : vector<16xf32>
        %add3A_178 = arith.constant 1.000000e-07 : f32
        %add3A_179 = vector.broadcast %add3A_178 : f32 to vector<16xf32>
        %add3A_180 = arith.addf %max3A_177, %add3A_179 : vector<16xf32>
        %exp3A_181 = math.exp %add3A_180 : vector<16xf32>
        %mul3A_182 = arith.mulf %add3A_180, %exp3A_181 : vector<16xf32>
        tpu.vector_store_idx %arg13[%get3A_137], %exp3A_181 {add = true} : memref<10000xf32, #tpu.memory_space<vmem>>[vector<16xi32>], vector<16xf32>,
        tpu.vector_store_idx %arg14[%get3A_137], %mul3A_182 {add = true} : memref<10000xf32, #tpu.memory_space<vmem>>[vector<16xi32>], vector<16xf32>,
        %mul3A_183 = arith.constant 4 : i32
        %mul3A_184 = arith.muli %scan3A_72, %mul3A_183 : i32
        %add3A_185 = arith.constant 2 : i32
        %add3A_186 = arith.addi %mul3A_184, %add3A_185 : i32
        %mul3A_187 = arith.constant 16 : i32
        %mul3A_188 = arith.muli %add3A_186, %mul3A_187 : i32
        %get3A_189 = arith.index_cast %mul3A_188 : i32 to index
        %get3A_190 = tpu.vector_load %arg16[%get3A_189] {strides = array<i32>} : memref<1600xi32, #tpu.memory_space<vmem>>, vector<16xi32>,
        %mul3A_191 = arith.constant 16 : i32
        %mul3A_192 = arith.muli %add3A_186, %mul3A_191 : i32
        %get3A_193 = arith.index_cast %mul3A_192 : i32 to index
        %get3A_194 = tpu.vector_load %arg18[%get3A_193] {strides = array<i32>} : memref<1600xi32, #tpu.memory_space<vmem>>, vector<16xi32>,
        %gather3A_195 = tpu.vector_load_idx %arg6[%get3A_190] : memref<40000xf32, #tpu.memory_space<vmem>>[vector<16xi32>], vector<16xf32>,
        %max3A_196 = arith.constant 0.000000e+00 : f32
        %max3A_197 = vector.broadcast %max3A_196 : f32 to vector<16xf32>
        %max3A_198 = arith.maximumf %gather3A_195, %max3A_197 : vector<16xf32>
        %add3A_199 = arith.constant 1.000000e-07 : f32
        %add3A_200 = vector.broadcast %add3A_199 : f32 to vector<16xf32>
        %add3A_201 = arith.addf %max3A_198, %add3A_200 : vector<16xf32>
        %exp3A_202 = math.exp %add3A_201 : vector<16xf32>
        %mul3A_203 = arith.mulf %add3A_201, %exp3A_202 : vector<16xf32>
        tpu.vector_store_idx %arg7[%get3A_194], %exp3A_202 {add = true} : memref<10000xf32, #tpu.memory_space<vmem>>[vector<16xi32>], vector<16xf32>,
        tpu.vector_store_idx %arg8[%get3A_194], %mul3A_203 {add = true} : memref<10000xf32, #tpu.memory_space<vmem>>[vector<16xi32>], vector<16xf32>,
        %add3A_204 = arith.constant 10000 : i32
        %add3A_205 = vector.broadcast %add3A_204 : i32 to vector<16xi32>
        %add3A_206 = arith.addi %get3A_190, %add3A_205 : vector<16xi32>
        %gather3A_207 = tpu.vector_load_idx %arg6[%add3A_206] : memref<40000xf32, #tpu.memory_space<vmem>>[vector<16xi32>], vector<16xf32>,
        %max3A_208 = arith.constant 0.000000e+00 : f32
        %max3A_209 = vector.broadcast %max3A_208 : f32 to vector<16xf32>
        %max3A_210 = arith.maximumf %gather3A_207, %max3A_209 : vector<16xf32>
        %add3A_211 = arith.constant 1.000000e-07 : f32
        %add3A_212 = vector.broadcast %add3A_211 : f32 to vector<16xf32>
        %add3A_213 = arith.addf %max3A_210, %add3A_212 : vector<16xf32>
        %exp3A_214 = math.exp %add3A_213 : vector<16xf32>
        %mul3A_215 = arith.mulf %add3A_213, %exp3A_214 : vector<16xf32>
        tpu.vector_store_idx %arg9[%get3A_194], %exp3A_214 {add = true} : memref<10000xf32, #tpu.memory_space<vmem>>[vector<16xi32>], vector<16xf32>,
        tpu.vector_store_idx %arg10[%get3A_194], %mul3A_215 {add = true} : memref<10000xf32, #tpu.memory_space<vmem>>[vector<16xi32>], vector<16xf32>,
        %add3A_216 = arith.constant 20000 : i32
        %add3A_217 = vector.broadcast %add3A_216 : i32 to vector<16xi32>
        %add3A_218 = arith.addi %get3A_190, %add3A_217 : vector<16xi32>
        %gather3A_219 = tpu.vector_load_idx %arg6[%add3A_218] : memref<40000xf32, #tpu.memory_space<vmem>>[vector<16xi32>], vector<16xf32>,
        %max3A_220 = arith.constant 0.000000e+00 : f32
        %max3A_221 = vector.broadcast %max3A_220 : f32 to vector<16xf32>
        %max3A_222 = arith.maximumf %gather3A_219, %max3A_221 : vector<16xf32>
        %add3A_223 = arith.constant 1.000000e-07 : f32
        %add3A_224 = vector.broadcast %add3A_223 : f32 to vector<16xf32>
        %add3A_225 = arith.addf %max3A_222, %add3A_224 : vector<16xf32>
        %exp3A_226 = math.exp %add3A_225 : vector<16xf32>
        %mul3A_227 = arith.mulf %add3A_225, %exp3A_226 : vector<16xf32>
        tpu.vector_store_idx %arg11[%get3A_194], %exp3A_226 {add = true} : memref<10000xf32, #tpu.memory_space<vmem>>[vector<16xi32>], vector<16xf32>,
        tpu.vector_store_idx %arg12[%get3A_194], %mul3A_227 {add = true} : memref<10000xf32, #tpu.memory_space<vmem>>[vector<16xi32>], vector<16xf32>,
        %add3A_228 = arith.constant 30000 : i32
        %add3A_229 = vector.broadcast %add3A_228 : i32 to vector<16xi32>
        %add3A_230 = arith.addi %get3A_190, %add3A_229 : vector<16xi32>
        %gather3A_231 = tpu.vector_load_idx %arg6[%add3A_230] : memref<40000xf32, #tpu.memory_space<vmem>>[vector<16xi32>], vector<16xf32>,
        %max3A_232 = arith.constant 0.000000e+00 : f32
        %max3A_233 = vector.broadcast %max3A_232 : f32 to vector<16xf32>
        %max3A_234 = arith.maximumf %gather3A_231, %max3A_233 : vector<16xf32>
        %add3A_235 = arith.constant 1.000000e-07 : f32
        %add3A_236 = vector.broadcast %add3A_235 : f32 to vector<16xf32>
        %add3A_237 = arith.addf %max3A_234, %add3A_236 : vector<16xf32>
        %exp3A_238 = math.exp %add3A_237 : vector<16xf32>
        %mul3A_239 = arith.mulf %add3A_237, %exp3A_238 : vector<16xf32>
        tpu.vector_store_idx %arg13[%get3A_194], %exp3A_238 {add = true} : memref<10000xf32, #tpu.memory_space<vmem>>[vector<16xi32>], vector<16xf32>,
        tpu.vector_store_idx %arg14[%get3A_194], %mul3A_239 {add = true} : memref<10000xf32, #tpu.memory_space<vmem>>[vector<16xi32>], vector<16xf32>,
        %mul3A_240 = arith.constant 4 : i32
        %mul3A_241 = arith.muli %scan3A_72, %mul3A_240 : i32
        %add3A_242 = arith.constant 3 : i32
        %add3A_243 = arith.addi %mul3A_241, %add3A_242 : i32
        %mul3A_244 = arith.constant 16 : i32
        %mul3A_245 = arith.muli %add3A_243, %mul3A_244 : i32
        %get3A_246 = arith.index_cast %mul3A_245 : i32 to index
        %get3A_247 = tpu.vector_load %arg16[%get3A_246] {strides = array<i32>} : memref<1600xi32, #tpu.memory_space<vmem>>, vector<16xi32>,
        %mul3A_248 = arith.constant 16 : i32
        %mul3A_249 = arith.muli %add3A_243, %mul3A_248 : i32
        %get3A_250 = arith.index_cast %mul3A_249 : i32 to index
        %get3A_251 = tpu.vector_load %arg18[%get3A_250] {strides = array<i32>} : memref<1600xi32, #tpu.memory_space<vmem>>, vector<16xi32>,
        %gather3A_252 = tpu.vector_load_idx %arg6[%get3A_247] : memref<40000xf32, #tpu.memory_space<vmem>>[vector<16xi32>], vector<16xf32>,
        %max3A_253 = arith.constant 0.000000e+00 : f32
        %max3A_254 = vector.broadcast %max3A_253 : f32 to vector<16xf32>
        %max3A_255 = arith.maximumf %gather3A_252, %max3A_254 : vector<16xf32>
        %add3A_256 = arith.constant 1.000000e-07 : f32
        %add3A_257 = vector.broadcast %add3A_256 : f32 to vector<16xf32>
        %add3A_258 = arith.addf %max3A_255, %add3A_257 : vector<16xf32>
        %exp3A_259 = math.exp %add3A_258 : vector<16xf32>
        %mul3A_260 = arith.mulf %add3A_258, %exp3A_259 : vector<16xf32>
        tpu.vector_store_idx %arg7[%get3A_251], %exp3A_259 {add = true} : memref<10000xf32, #tpu.memory_space<vmem>>[vector<16xi32>], vector<16xf32>,
        tpu.vector_store_idx %arg8[%get3A_251], %mul3A_260 {add = true} : memref<10000xf32, #tpu.memory_space<vmem>>[vector<16xi32>], vector<16xf32>,
        %add3A_261 = arith.constant 10000 : i32
        %add3A_262 = vector.broadcast %add3A_261 : i32 to vector<16xi32>
        %add3A_263 = arith.addi %get3A_247, %add3A_262 : vector<16xi32>
        %gather3A_264 = tpu.vector_load_idx %arg6[%add3A_263] : memref<40000xf32, #tpu.memory_space<vmem>>[vector<16xi32>], vector<16xf32>,
        %max3A_265 = arith.constant 0.000000e+00 : f32
        %max3A_266 = vector.broadcast %max3A_265 : f32 to vector<16xf32>
        %max3A_267 = arith.maximumf %gather3A_264, %max3A_266 : vector<16xf32>
        %add3A_268 = arith.constant 1.000000e-07 : f32
        %add3A_269 = vector.broadcast %add3A_268 : f32 to vector<16xf32>
        %add3A_270 = arith.addf %max3A_267, %add3A_269 : vector<16xf32>
        %exp3A_271 = math.exp %add3A_270 : vector<16xf32>
        %mul3A_272 = arith.mulf %add3A_270, %exp3A_271 : vector<16xf32>
        tpu.vector_store_idx %arg9[%get3A_251], %exp3A_271 {add = true} : memref<10000xf32, #tpu.memory_space<vmem>>[vector<16xi32>], vector<16xf32>,
        tpu.vector_store_idx %arg10[%get3A_251], %mul3A_272 {add = true} : memref<10000xf32, #tpu.memory_space<vmem>>[vector<16xi32>], vector<16xf32>,
        %add3A_273 = arith.constant 20000 : i32
        %add3A_274 = vector.broadcast %add3A_273 : i32 to vector<16xi32>
        %add3A_275 = arith.addi %get3A_247, %add3A_274 : vector<16xi32>
        %gather3A_276 = tpu.vector_load_idx %arg6[%add3A_275] : memref<40000xf32, #tpu.memory_space<vmem>>[vector<16xi32>], vector<16xf32>,
        %max3A_277 = arith.constant 0.000000e+00 : f32
        %max3A_278 = vector.broadcast %max3A_277 : f32 to vector<16xf32>
        %max3A_279 = arith.maximumf %gather3A_276, %max3A_278 : vector<16xf32>
        %add3A_280 = arith.constant 1.000000e-07 : f32
        %add3A_281 = vector.broadcast %add3A_280 : f32 to vector<16xf32>
        %add3A_282 = arith.addf %max3A_279, %add3A_281 : vector<16xf32>
        %exp3A_283 = math.exp %add3A_282 : vector<16xf32>
        %mul3A_284 = arith.mulf %add3A_282, %exp3A_283 : vector<16xf32>
        tpu.vector_store_idx %arg11[%get3A_251], %exp3A_283 {add = true} : memref<10000xf32, #tpu.memory_space<vmem>>[vector<16xi32>], vector<16xf32>,
        tpu.vector_store_idx %arg12[%get3A_251], %mul3A_284 {add = true} : memref<10000xf32, #tpu.memory_space<vmem>>[vector<16xi32>], vector<16xf32>,
        %add3A_285 = arith.constant 30000 : i32
        %add3A_286 = vector.broadcast %add3A_285 : i32 to vector<16xi32>
        %add3A_287 = arith.addi %get3A_247, %add3A_286 : vector<16xi32>
        %gather3A_288 = tpu.vector_load_idx %arg6[%add3A_287] : memref<40000xf32, #tpu.memory_space<vmem>>[vector<16xi32>], vector<16xf32>,
        %max3A_289 = arith.constant 0.000000e+00 : f32
        %max3A_290 = vector.broadcast %max3A_289 : f32 to vector<16xf32>
        %max3A_291 = arith.maximumf %gather3A_288, %max3A_290 : vector<16xf32>
        %add3A_292 = arith.constant 1.000000e-07 : f32
        %add3A_293 = vector.broadcast %add3A_292 : f32 to vector<16xf32>
        %add3A_294 = arith.addf %max3A_291, %add3A_293 : vector<16xf32>
        %exp3A_295 = math.exp %add3A_294 : vector<16xf32>
        %mul3A_296 = arith.mulf %add3A_294, %exp3A_295 : vector<16xf32>
        tpu.vector_store_idx %arg13[%get3A_251], %exp3A_295 {add = true} : memref<10000xf32, #tpu.memory_space<vmem>>[vector<16xi32>], vector<16xf32>,
        tpu.vector_store_idx %arg14[%get3A_251], %mul3A_296 {add = true} : memref<10000xf32, #tpu.memory_space<vmem>>[vector<16xi32>], vector<16xf32>,
      }
      %scan3A_71 = arith.constant 25 : i32
    }
    %scan3A_19 = arith.constant 100 : i32
    %run_scoped3A = arith.constant 0 : i32
    "tpu.region"() ({
      %run_scoped3A_27 = tpu.sem_alloc : memref<!tpu.dma_semaphore, #tpu.memory_space<semaphore_mem>>
      %dma_start3A_28 = arith.constant 0 : i32
      %dma_start3A_29 = tpu.memref_slice %arg5[%add3A, %run_scoped3A, %dma_start3A_28] : memref<32x8x10000xf32, #tpu.memory_space<hbm>> -> memref<1x1x10000xf32, #tpu.memory_space<hbm>>
      %dma_start3A_30 = tpu.memref_squeeze %dma_start3A_29 : memref<1x1x10000xf32, #tpu.memory_space<hbm>> -> memref<10000xf32, #tpu.memory_space<hbm>>
      %dma_start3A_31 = arith.constant 0 : i32
      %dma_start3A_32 = tpu.memref_slice %arg5[%add3A, %run_scoped3A, %dma_start3A_31] : memref<32x8x10000xf32, #tpu.memory_space<hbm>> -> memref<1x1x10000xf32, #tpu.memory_space<hbm>>
      %dma_start3A_33 = tpu.memref_squeeze %dma_start3A_32 : memref<1x1x10000xf32, #tpu.memory_space<hbm>> -> memref<10000xf32, #tpu.memory_space<hbm>>
      tpu.enqueue_dma source(%arg7 : memref<10000xf32, #tpu.memory_space<vmem>>) target(%dma_start3A_33 : memref<10000xf32, #tpu.memory_space<hbm>>) target_semaphore(%run_scoped3A_27 : memref<!tpu.dma_semaphore, #tpu.memory_space<semaphore_mem>>)
      %dma_wait3A = arith.constant 0 : i32
      %dma_wait3A_34 = tpu.memref_slice %arg5[%add3A, %run_scoped3A, %dma_wait3A] : memref<32x8x10000xf32, #tpu.memory_space<hbm>> -> memref<1x1x10000xf32, #tpu.memory_space<hbm>>
      %dma_wait3A_35 = tpu.memref_squeeze %dma_wait3A_34 : memref<1x1x10000xf32, #tpu.memory_space<hbm>> -> memref<10000xf32, #tpu.memory_space<hbm>>
      %dma_wait3A_36 = arith.constant 0 : i32
      %dma_wait3A_37 = tpu.memref_slice %arg5[%add3A, %run_scoped3A, %dma_wait3A_36] : memref<32x8x10000xf32, #tpu.memory_space<hbm>> -> memref<1x1x10000xf32, #tpu.memory_space<hbm>>
      %dma_wait3A_38 = tpu.memref_squeeze %dma_wait3A_37 : memref<1x1x10000xf32, #tpu.memory_space<hbm>> -> memref<10000xf32, #tpu.memory_space<hbm>>
      tpu.wait_dma2 semaphore(%run_scoped3A_27 : memref<!tpu.dma_semaphore, #tpu.memory_space<semaphore_mem>>) src(%arg7 : memref<10000xf32, #tpu.memory_space<vmem>>) dst(%dma_wait3A_38 : memref<10000xf32, #tpu.memory_space<hbm>>)
      tpu.yield
    }) : () -> ()
    %run_scoped3A_20 = arith.constant 1 : i32
    "tpu.region"() ({
      %run_scoped3A_27 = tpu.sem_alloc : memref<!tpu.dma_semaphore, #tpu.memory_space<semaphore_mem>>
      %dma_start3A_28 = arith.constant 0 : i32
      %dma_start3A_29 = tpu.memref_slice %arg5[%add3A, %run_scoped3A_20, %dma_start3A_28] : memref<32x8x10000xf32, #tpu.memory_space<hbm>> -> memref<1x1x10000xf32, #tpu.memory_space<hbm>>
      %dma_start3A_30 = tpu.memref_squeeze %dma_start3A_29 : memref<1x1x10000xf32, #tpu.memory_space<hbm>> -> memref<10000xf32, #tpu.memory_space<hbm>>
      %dma_start3A_31 = arith.constant 0 : i32
      %dma_start3A_32 = tpu.memref_slice %arg5[%add3A, %run_scoped3A_20, %dma_start3A_31] : memref<32x8x10000xf32, #tpu.memory_space<hbm>> -> memref<1x1x10000xf32, #tpu.memory_space<hbm>>
      %dma_start3A_33 = tpu.memref_squeeze %dma_start3A_32 : memref<1x1x10000xf32, #tpu.memory_space<hbm>> -> memref<10000xf32, #tpu.memory_space<hbm>>
      tpu.enqueue_dma source(%arg8 : memref<10000xf32, #tpu.memory_space<vmem>>) target(%dma_start3A_33 : memref<10000xf32, #tpu.memory_space<hbm>>) target_semaphore(%run_scoped3A_27 : memref<!tpu.dma_semaphore, #tpu.memory_space<semaphore_mem>>)
      %dma_wait3A = arith.constant 0 : i32
      %dma_wait3A_34 = tpu.memref_slice %arg5[%add3A, %run_scoped3A_20, %dma_wait3A] : memref<32x8x10000xf32, #tpu.memory_space<hbm>> -> memref<1x1x10000xf32, #tpu.memory_space<hbm>>
      %dma_wait3A_35 = tpu.memref_squeeze %dma_wait3A_34 : memref<1x1x10000xf32, #tpu.memory_space<hbm>> -> memref<10000xf32, #tpu.memory_space<hbm>>
      %dma_wait3A_36 = arith.constant 0 : i32
      %dma_wait3A_37 = tpu.memref_slice %arg5[%add3A, %run_scoped3A_20, %dma_wait3A_36] : memref<32x8x10000xf32, #tpu.memory_space<hbm>> -> memref<1x1x10000xf32, #tpu.memory_space<hbm>>
      %dma_wait3A_38 = tpu.memref_squeeze %dma_wait3A_37 : memref<1x1x10000xf32, #tpu.memory_space<hbm>> -> memref<10000xf32, #tpu.memory_space<hbm>>
      tpu.wait_dma2 semaphore(%run_scoped3A_27 : memref<!tpu.dma_semaphore, #tpu.memory_space<semaphore_mem>>) src(%arg8 : memref<10000xf32, #tpu.memory_space<vmem>>) dst(%dma_wait3A_38 : memref<10000xf32, #tpu.memory_space<hbm>>)
      tpu.yield
    }) : () -> ()
    %run_scoped3A_21 = arith.constant 2 : i32
    "tpu.region"() ({
      %run_scoped3A_27 = tpu.sem_alloc : memref<!tpu.dma_semaphore, #tpu.memory_space<semaphore_mem>>
      %dma_start3A_28 = arith.constant 0 : i32
      %dma_start3A_29 = tpu.memref_slice %arg5[%add3A, %run_scoped3A_21, %dma_start3A_28] : memref<32x8x10000xf32, #tpu.memory_space<hbm>> -> memref<1x1x10000xf32, #tpu.memory_space<hbm>>
      %dma_start3A_30 = tpu.memref_squeeze %dma_start3A_29 : memref<1x1x10000xf32, #tpu.memory_space<hbm>> -> memref<10000xf32, #tpu.memory_space<hbm>>
      %dma_start3A_31 = arith.constant 0 : i32
      %dma_start3A_32 = tpu.memref_slice %arg5[%add3A, %run_scoped3A_21, %dma_start3A_31] : memref<32x8x10000xf32, #tpu.memory_space<hbm>> -> memref<1x1x10000xf32, #tpu.memory_space<hbm>>
      %dma_start3A_33 = tpu.memref_squeeze %dma_start3A_32 : memref<1x1x10000xf32, #tpu.memory_space<hbm>> -> memref<10000xf32, #tpu.memory_space<hbm>>
      tpu.enqueue_dma source(%arg9 : memref<10000xf32, #tpu.memory_space<vmem>>) target(%dma_start3A_33 : memref<10000xf32, #tpu.memory_space<hbm>>) target_semaphore(%run_scoped3A_27 : memref<!tpu.dma_semaphore, #tpu.memory_space<semaphore_mem>>)
      %dma_wait3A = arith.constant 0 : i32
      %dma_wait3A_34 = tpu.memref_slice %arg5[%add3A, %run_scoped3A_21, %dma_wait3A] : memref<32x8x10000xf32, #tpu.memory_space<hbm>> -> memref<1x1x10000xf32, #tpu.memory_space<hbm>>
      %dma_wait3A_35 = tpu.memref_squeeze %dma_wait3A_34 : memref<1x1x10000xf32, #tpu.memory_space<hbm>> -> memref<10000xf32, #tpu.memory_space<hbm>>
      %dma_wait3A_36 = arith.constant 0 : i32
      %dma_wait3A_37 = tpu.memref_slice %arg5[%add3A, %run_scoped3A_21, %dma_wait3A_36] : memref<32x8x10000xf32, #tpu.memory_space<hbm>> -> memref<1x1x10000xf32, #tpu.memory_space<hbm>>
      %dma_wait3A_38 = tpu.memref_squeeze %dma_wait3A_37 : memref<1x1x10000xf32, #tpu.memory_space<hbm>> -> memref<10000xf32, #tpu.memory_space<hbm>>
      tpu.wait_dma2 semaphore(%run_scoped3A_27 : memref<!tpu.dma_semaphore, #tpu.memory_space<semaphore_mem>>) src(%arg9 : memref<10000xf32, #tpu.memory_space<vmem>>) dst(%dma_wait3A_38 : memref<10000xf32, #tpu.memory_space<hbm>>)
      tpu.yield
    }) : () -> ()
    %run_scoped3A_22 = arith.constant 3 : i32
    "tpu.region"() ({
      %run_scoped3A_27 = tpu.sem_alloc : memref<!tpu.dma_semaphore, #tpu.memory_space<semaphore_mem>>
      %dma_start3A_28 = arith.constant 0 : i32
      %dma_start3A_29 = tpu.memref_slice %arg5[%add3A, %run_scoped3A_22, %dma_start3A_28] : memref<32x8x10000xf32, #tpu.memory_space<hbm>> -> memref<1x1x10000xf32, #tpu.memory_space<hbm>>
      %dma_start3A_30 = tpu.memref_squeeze %dma_start3A_29 : memref<1x1x10000xf32, #tpu.memory_space<hbm>> -> memref<10000xf32, #tpu.memory_space<hbm>>
      %dma_start3A_31 = arith.constant 0 : i32
      %dma_start3A_32 = tpu.memref_slice %arg5[%add3A, %run_scoped3A_22, %dma_start3A_31] : memref<32x8x10000xf32, #tpu.memory_space<hbm>> -> memref<1x1x10000xf32, #tpu.memory_space<hbm>>
      %dma_start3A_33 = tpu.memref_squeeze %dma_start3A_32 : memref<1x1x10000xf32, #tpu.memory_space<hbm>> -> memref<10000xf32, #tpu.memory_space<hbm>>
      tpu.enqueue_dma source(%arg10 : memref<10000xf32, #tpu.memory_space<vmem>>) target(%dma_start3A_33 : memref<10000xf32, #tpu.memory_space<hbm>>) target_semaphore(%run_scoped3A_27 : memref<!tpu.dma_semaphore, #tpu.memory_space<semaphore_mem>>)
      %dma_wait3A = arith.constant 0 : i32
      %dma_wait3A_34 = tpu.memref_slice %arg5[%add3A, %run_scoped3A_22, %dma_wait3A] : memref<32x8x10000xf32, #tpu.memory_space<hbm>> -> memref<1x1x10000xf32, #tpu.memory_space<hbm>>
      %dma_wait3A_35 = tpu.memref_squeeze %dma_wait3A_34 : memref<1x1x10000xf32, #tpu.memory_space<hbm>> -> memref<10000xf32, #tpu.memory_space<hbm>>
      %dma_wait3A_36 = arith.constant 0 : i32
      %dma_wait3A_37 = tpu.memref_slice %arg5[%add3A, %run_scoped3A_22, %dma_wait3A_36] : memref<32x8x10000xf32, #tpu.memory_space<hbm>> -> memref<1x1x10000xf32, #tpu.memory_space<hbm>>
      %dma_wait3A_38 = tpu.memref_squeeze %dma_wait3A_37 : memref<1x1x10000xf32, #tpu.memory_space<hbm>> -> memref<10000xf32, #tpu.memory_space<hbm>>
      tpu.wait_dma2 semaphore(%run_scoped3A_27 : memref<!tpu.dma_semaphore, #tpu.memory_space<semaphore_mem>>) src(%arg10 : memref<10000xf32, #tpu.memory_space<vmem>>) dst(%dma_wait3A_38 : memref<10000xf32, #tpu.memory_space<hbm>>)
      tpu.yield
    }) : () -> ()
    %run_scoped3A_23 = arith.constant 4 : i32
    "tpu.region"() ({
      %run_scoped3A_27 = tpu.sem_alloc : memref<!tpu.dma_semaphore, #tpu.memory_space<semaphore_mem>>
      %dma_start3A_28 = arith.constant 0 : i32
      %dma_start3A_29 = tpu.memref_slice %arg5[%add3A, %run_scoped3A_23, %dma_start3A_28] : memref<32x8x10000xf32, #tpu.memory_space<hbm>> -> memref<1x1x10000xf32, #tpu.memory_space<hbm>>
      %dma_start3A_30 = tpu.memref_squeeze %dma_start3A_29 : memref<1x1x10000xf32, #tpu.memory_space<hbm>> -> memref<10000xf32, #tpu.memory_space<hbm>>
      %dma_start3A_31 = arith.constant 0 : i32
      %dma_start3A_32 = tpu.memref_slice %arg5[%add3A, %run_scoped3A_23, %dma_start3A_31] : memref<32x8x10000xf32, #tpu.memory_space<hbm>> -> memref<1x1x10000xf32, #tpu.memory_space<hbm>>
      %dma_start3A_33 = tpu.memref_squeeze %dma_start3A_32 : memref<1x1x10000xf32, #tpu.memory_space<hbm>> -> memref<10000xf32, #tpu.memory_space<hbm>>
      tpu.enqueue_dma source(%arg11 : memref<10000xf32, #tpu.memory_space<vmem>>) target(%dma_start3A_33 : memref<10000xf32, #tpu.memory_space<hbm>>) target_semaphore(%run_scoped3A_27 : memref<!tpu.dma_semaphore, #tpu.memory_space<semaphore_mem>>)
      %dma_wait3A = arith.constant 0 : i32
      %dma_wait3A_34 = tpu.memref_slice %arg5[%add3A, %run_scoped3A_23, %dma_wait3A] : memref<32x8x10000xf32, #tpu.memory_space<hbm>> -> memref<1x1x10000xf32, #tpu.memory_space<hbm>>
      %dma_wait3A_35 = tpu.memref_squeeze %dma_wait3A_34 : memref<1x1x10000xf32, #tpu.memory_space<hbm>> -> memref<10000xf32, #tpu.memory_space<hbm>>
      %dma_wait3A_36 = arith.constant 0 : i32
      %dma_wait3A_37 = tpu.memref_slice %arg5[%add3A, %run_scoped3A_23, %dma_wait3A_36] : memref<32x8x10000xf32, #tpu.memory_space<hbm>> -> memref<1x1x10000xf32, #tpu.memory_space<hbm>>
      %dma_wait3A_38 = tpu.memref_squeeze %dma_wait3A_37 : memref<1x1x10000xf32, #tpu.memory_space<hbm>> -> memref<10000xf32, #tpu.memory_space<hbm>>
      tpu.wait_dma2 semaphore(%run_scoped3A_27 : memref<!tpu.dma_semaphore, #tpu.memory_space<semaphore_mem>>) src(%arg11 : memref<10000xf32, #tpu.memory_space<vmem>>) dst(%dma_wait3A_38 : memref<10000xf32, #tpu.memory_space<hbm>>)
      tpu.yield
    }) : () -> ()
    %run_scoped3A_24 = arith.constant 5 : i32
    "tpu.region"() ({
      %run_scoped3A_27 = tpu.sem_alloc : memref<!tpu.dma_semaphore, #tpu.memory_space<semaphore_mem>>
      %dma_start3A_28 = arith.constant 0 : i32
      %dma_start3A_29 = tpu.memref_slice %arg5[%add3A, %run_scoped3A_24, %dma_start3A_28] : memref<32x8x10000xf32, #tpu.memory_space<hbm>> -> memref<1x1x10000xf32, #tpu.memory_space<hbm>>
      %dma_start3A_30 = tpu.memref_squeeze %dma_start3A_29 : memref<1x1x10000xf32, #tpu.memory_space<hbm>> -> memref<10000xf32, #tpu.memory_space<hbm>>
      %dma_start3A_31 = arith.constant 0 : i32
      %dma_start3A_32 = tpu.memref_slice %arg5[%add3A, %run_scoped3A_24, %dma_start3A_31] : memref<32x8x10000xf32, #tpu.memory_space<hbm>> -> memref<1x1x10000xf32, #tpu.memory_space<hbm>>
      %dma_start3A_33 = tpu.memref_squeeze %dma_start3A_32 : memref<1x1x10000xf32, #tpu.memory_space<hbm>> -> memref<10000xf32, #tpu.memory_space<hbm>>
      tpu.enqueue_dma source(%arg12 : memref<10000xf32, #tpu.memory_space<vmem>>) target(%dma_start3A_33 : memref<10000xf32, #tpu.memory_space<hbm>>) target_semaphore(%run_scoped3A_27 : memref<!tpu.dma_semaphore, #tpu.memory_space<semaphore_mem>>)
      %dma_wait3A = arith.constant 0 : i32
      %dma_wait3A_34 = tpu.memref_slice %arg5[%add3A, %run_scoped3A_24, %dma_wait3A] : memref<32x8x10000xf32, #tpu.memory_space<hbm>> -> memref<1x1x10000xf32, #tpu.memory_space<hbm>>
      %dma_wait3A_35 = tpu.memref_squeeze %dma_wait3A_34 : memref<1x1x10000xf32, #tpu.memory_space<hbm>> -> memref<10000xf32, #tpu.memory_space<hbm>>
      %dma_wait3A_36 = arith.constant 0 : i32
      %dma_wait3A_37 = tpu.memref_slice %arg5[%add3A, %run_scoped3A_24, %dma_wait3A_36] : memref<32x8x10000xf32, #tpu.memory_space<hbm>> -> memref<1x1x10000xf32, #tpu.memory_space<hbm>>
      %dma_wait3A_38 = tpu.memref_squeeze %dma_wait3A_37 : memref<1x1x10000xf32, #tpu.memory_space<hbm>> -> memref<10000xf32, #tpu.memory_space<hbm>>
      tpu.wait_dma2 semaphore(%run_scoped3A_27 : memref<!tpu.dma_semaphore, #tpu.memory_space<semaphore_mem>>) src(%arg12 : memref<10000xf32, #tpu.memory_space<vmem>>) dst(%dma_wait3A_38 : memref<10000xf32, #tpu.memory_space<hbm>>)
      tpu.yield
    }) : () -> ()
    %run_scoped3A_25 = arith.constant 6 : i32
    "tpu.region"() ({
      %run_scoped3A_27 = tpu.sem_alloc : memref<!tpu.dma_semaphore, #tpu.memory_space<semaphore_mem>>
      %dma_start3A_28 = arith.constant 0 : i32
      %dma_start3A_29 = tpu.memref_slice %arg5[%add3A, %run_scoped3A_25, %dma_start3A_28] : memref<32x8x10000xf32, #tpu.memory_space<hbm>> -> memref<1x1x10000xf32, #tpu.memory_space<hbm>>
      %dma_start3A_30 = tpu.memref_squeeze %dma_start3A_29 : memref<1x1x10000xf32, #tpu.memory_space<hbm>> -> memref<10000xf32, #tpu.memory_space<hbm>>
      %dma_start3A_31 = arith.constant 0 : i32
      %dma_start3A_32 = tpu.memref_slice %arg5[%add3A, %run_scoped3A_25, %dma_start3A_31] : memref<32x8x10000xf32, #tpu.memory_space<hbm>> -> memref<1x1x10000xf32, #tpu.memory_space<hbm>>
      %dma_start3A_33 = tpu.memref_squeeze %dma_start3A_32 : memref<1x1x10000xf32, #tpu.memory_space<hbm>> -> memref<10000xf32, #tpu.memory_space<hbm>>
      tpu.enqueue_dma source(%arg13 : memref<10000xf32, #tpu.memory_space<vmem>>) target(%dma_start3A_33 : memref<10000xf32, #tpu.memory_space<hbm>>) target_semaphore(%run_scoped3A_27 : memref<!tpu.dma_semaphore, #tpu.memory_space<semaphore_mem>>)
      %dma_wait3A = arith.constant 0 : i32
      %dma_wait3A_34 = tpu.memref_slice %arg5[%add3A, %run_scoped3A_25, %dma_wait3A] : memref<32x8x10000xf32, #tpu.memory_space<hbm>> -> memref<1x1x10000xf32, #tpu.memory_space<hbm>>
      %dma_wait3A_35 = tpu.memref_squeeze %dma_wait3A_34 : memref<1x1x10000xf32, #tpu.memory_space<hbm>> -> memref<10000xf32, #tpu.memory_space<hbm>>
      %dma_wait3A_36 = arith.constant 0 : i32
      %dma_wait3A_37 = tpu.memref_slice %arg5[%add3A, %run_scoped3A_25, %dma_wait3A_36] : memref<32x8x10000xf32, #tpu.memory_space<hbm>> -> memref<1x1x10000xf32, #tpu.memory_space<hbm>>
      %dma_wait3A_38 = tpu.memref_squeeze %dma_wait3A_37 : memref<1x1x10000xf32, #tpu.memory_space<hbm>> -> memref<10000xf32, #tpu.memory_space<hbm>>
      tpu.wait_dma2 semaphore(%run_scoped3A_27 : memref<!tpu.dma_semaphore, #tpu.memory_space<semaphore_mem>>) src(%arg13 : memref<10000xf32, #tpu.memory_space<vmem>>) dst(%dma_wait3A_38 : memref<10000xf32, #tpu.memory_space<hbm>>)
      tpu.yield
    }) : () -> ()
    %run_scoped3A_26 = arith.constant 7 : i32
    "tpu.region"() ({
      %run_scoped3A_27 = tpu.sem_alloc : memref<!tpu.dma_semaphore, #tpu.memory_space<semaphore_mem>>
      %dma_start3A_28 = arith.constant 0 : i32
      %dma_start3A_29 = tpu.memref_slice %arg5[%add3A, %run_scoped3A_26, %dma_start3A_28] : memref<32x8x10000xf32, #tpu.memory_space<hbm>> -> memref<1x1x10000xf32, #tpu.memory_space<hbm>>
      %dma_start3A_30 = tpu.memref_squeeze %dma_start3A_29 : memref<1x1x10000xf32, #tpu.memory_space<hbm>> -> memref<10000xf32, #tpu.memory_space<hbm>>
      %dma_start3A_31 = arith.constant 0 : i32
      %dma_start3A_32 = tpu.memref_slice %arg5[%add3A, %run_scoped3A_26, %dma_start3A_31] : memref<32x8x10000xf32, #tpu.memory_space<hbm>> -> memref<1x1x10000xf32, #tpu.memory_space<hbm>>
      %dma_start3A_33 = tpu.memref_squeeze %dma_start3A_32 : memref<1x1x10000xf32, #tpu.memory_space<hbm>> -> memref<10000xf32, #tpu.memory_space<hbm>>
      tpu.enqueue_dma source(%arg14 : memref<10000xf32, #tpu.memory_space<vmem>>) target(%dma_start3A_33 : memref<10000xf32, #tpu.memory_space<hbm>>) target_semaphore(%run_scoped3A_27 : memref<!tpu.dma_semaphore, #tpu.memory_space<semaphore_mem>>)
      %dma_wait3A = arith.constant 0 : i32
      %dma_wait3A_34 = tpu.memref_slice %arg5[%add3A, %run_scoped3A_26, %dma_wait3A] : memref<32x8x10000xf32, #tpu.memory_space<hbm>> -> memref<1x1x10000xf32, #tpu.memory_space<hbm>>
      %dma_wait3A_35 = tpu.memref_squeeze %dma_wait3A_34 : memref<1x1x10000xf32, #tpu.memory_space<hbm>> -> memref<10000xf32, #tpu.memory_space<hbm>>
      %dma_wait3A_36 = arith.constant 0 : i32
      %dma_wait3A_37 = tpu.memref_slice %arg5[%add3A, %run_scoped3A_26, %dma_wait3A_36] : memref<32x8x10000xf32, #tpu.memory_space<hbm>> -> memref<1x1x10000xf32, #tpu.memory_space<hbm>>
      %dma_wait3A_38 = tpu.memref_squeeze %dma_wait3A_37 : memref<1x1x10000xf32, #tpu.memory_space<hbm>> -> memref<10000xf32, #tpu.memory_space<hbm>>
      tpu.wait_dma2 semaphore(%run_scoped3A_27 : memref<!tpu.dma_semaphore, #tpu.memory_space<semaphore_mem>>) src(%arg14 : memref<10000xf32, #tpu.memory_space<vmem>>) dst(%dma_wait3A_38 : memref<10000xf32, #tpu.memory_space<hbm>>)
      tpu.yield
    }) : () -> ()
    return
  }
}

module attributes {stable_mosaic.version = 14 : i64} {
  func.func @_tc_body(%arg0: memref<10000x128xf32, #tpu.memory_space<vmem>>, %arg1: memref<10000x128xf32, #tpu.memory_space<vmem>>, %arg2: memref<10000x128xf32, #tpu.memory_space<vmem>>, %arg3: memref<128x256xf32, #tpu.memory_space<vmem>>, %arg4: memref<1x256xf32, #tpu.memory_space<vmem>>, %arg5: memref<1x256xf32, #tpu.memory_space<vmem>>, %arg6: memref<1x256xf32, #tpu.memory_space<vmem>>, %arg7: memref<256x128xf32, #tpu.memory_space<vmem>>, %arg8: memref<1x128xf32, #tpu.memory_space<vmem>>, %arg9: memref<10000x128xf32, #tpu.memory_space<vmem>>) attributes {dimension_semantics = [], scalar_prefetch = 0 : i64, scratch_operands = 0 : i64, tpu.core_type = #tpu.core_type<tc>} {
    %get3A = arith.constant 0 : index
    %get3A_0 = arith.constant 0 : index
    %get3A_1 = vector.load %arg0[%get3A, %get3A_0] : memref<10000x128xf32, #tpu.memory_space<vmem>>, vector<10000x128xf32>
    %get3A_2 = arith.constant 0 : index
    %get3A_3 = arith.constant 0 : index
    %get3A_4 = vector.load %arg2[%get3A_2, %get3A_3] : memref<10000x128xf32, #tpu.memory_space<vmem>>, vector<10000x128xf32>
    %get3A_5 = arith.constant 0 : index
    %get3A_6 = arith.constant 0 : index
    %get3A_7 = vector.load %arg1[%get3A_5, %get3A_6] : memref<10000x128xf32, #tpu.memory_space<vmem>>, vector<10000x128xf32>
    %add3A = arith.constant 1.000000e-16 : f32
    %add3A_8 = vector.broadcast %add3A : f32 to vector<10000x128xf32>
    %add3A_9 = arith.addf %get3A_7, %add3A_8 : vector<10000x128xf32>
    %div3A = arith.divf %get3A_4, %add3A_9 : vector<10000x128xf32>
    %add3A_10 = arith.addf %div3A, %get3A_1 : vector<10000x128xf32>
    %get3A_11 = arith.constant 0 : index
    %get3A_12 = arith.constant 0 : index
    %get3A_13 = vector.load %arg3[%get3A_11, %get3A_12] : memref<128x256xf32, #tpu.memory_space<vmem>>, vector<128x256xf32>
    %dot_general3A = arith.constant dense<0.000000e+00> : vector<10000x256xf32>
    %dot_general3A_14 = tpu.matmul %add3A_10, %get3A_13, %dot_general3A {dimension_numbers = #tpu.dot_dimension_numbers<[1], [0], [0], [1], [0, 0, 1, 1], [], []>, transpose_lhs_hint = false} : vector<10000x128xf32>, vector<128x256xf32>, vector<10000x256xf32> -> vector<10000x256xf32>
    %get3A_15 = arith.constant 0 : index
    %get3A_16 = arith.constant 0 : index
    %get3A_17 = vector.load %arg4[%get3A_15, %get3A_16] : memref<1x256xf32, #tpu.memory_space<vmem>>, vector<1x256xf32>
    %add3A_18 = vector.broadcast %get3A_17 : vector<1x256xf32> to vector<10000x256xf32>
    %add3A_19 = arith.addf %dot_general3A_14, %add3A_18 : vector<10000x256xf32>
    %reduce_sum3A = arith.constant dense<0.000000e+00> : vector<256xf32>
    %reduce_sum3A_20 = vector.multi_reduction <add>, %add3A_19, %reduce_sum3A [0] : vector<10000x256xf32> to vector<256xf32>
    %broadcast_in_dim3A = vector.shape_cast %reduce_sum3A_20 : vector<256xf32> to vector<1x256xf32>
    %div3A_21 = arith.constant 1.000000e+04 : f32
    %div3A_22 = vector.broadcast %div3A_21 : f32 to vector<1x256xf32>
    %div3A_23 = arith.divf %broadcast_in_dim3A, %div3A_22 : vector<1x256xf32>
    %sub3A = vector.broadcast %div3A_23 : vector<1x256xf32> to vector<10000x256xf32>
    %sub3A_24 = arith.subf %add3A_19, %sub3A : vector<10000x256xf32>
    %integer_pow3A = arith.mulf %sub3A_24, %sub3A_24 : vector<10000x256xf32>
    %reduce_sum3A_25 = arith.constant dense<0.000000e+00> : vector<256xf32>
    %reduce_sum3A_26 = vector.multi_reduction <add>, %integer_pow3A, %reduce_sum3A_25 [0] : vector<10000x256xf32> to vector<256xf32>
    %broadcast_in_dim3A_27 = vector.shape_cast %reduce_sum3A_26 : vector<256xf32> to vector<1x256xf32>
    %div3A_28 = arith.constant 1.000000e+04 : f32
    %div3A_29 = vector.broadcast %div3A_28 : f32 to vector<1x256xf32>
    %div3A_30 = arith.divf %broadcast_in_dim3A_27, %div3A_29 : vector<1x256xf32>
    %sub3A_31 = vector.broadcast %div3A_23 : vector<1x256xf32> to vector<10000x256xf32>
    %sub3A_32 = arith.subf %add3A_19, %sub3A_31 : vector<10000x256xf32>
    %add3A_33 = arith.constant 9.99999974E-6 : f32
    %add3A_34 = vector.broadcast %add3A_33 : f32 to vector<1x256xf32>
    %add3A_35 = arith.addf %div3A_30, %add3A_34 : vector<1x256xf32>
    %rsqrt3A = math.rsqrt %add3A_35 : vector<1x256xf32>
    %mul3A = vector.broadcast %rsqrt3A : vector<1x256xf32> to vector<10000x256xf32>
    %mul3A_36 = arith.mulf %sub3A_32, %mul3A : vector<10000x256xf32>
    %get3A_37 = arith.constant 0 : index
    %get3A_38 = arith.constant 0 : index
    %get3A_39 = vector.load %arg5[%get3A_37, %get3A_38] : memref<1x256xf32, #tpu.memory_space<vmem>>, vector<1x256xf32>
    %mul3A_40 = vector.broadcast %get3A_39 : vector<1x256xf32> to vector<10000x256xf32>
    %mul3A_41 = arith.mulf %mul3A_36, %mul3A_40 : vector<10000x256xf32>
    %get3A_42 = arith.constant 0 : index
    %get3A_43 = arith.constant 0 : index
    %get3A_44 = vector.load %arg6[%get3A_42, %get3A_43] : memref<1x256xf32, #tpu.memory_space<vmem>>, vector<1x256xf32>
    %add3A_45 = vector.broadcast %get3A_44 : vector<1x256xf32> to vector<10000x256xf32>
    %add3A_46 = arith.addf %mul3A_41, %add3A_45 : vector<10000x256xf32>
    %max3A = arith.constant 0.000000e+00 : f32
    %max3A_47 = vector.broadcast %max3A : f32 to vector<10000x256xf32>
    %max3A_48 = arith.maximumf %add3A_46, %max3A_47 : vector<10000x256xf32>
    %get3A_49 = arith.constant 0 : index
    %get3A_50 = arith.constant 0 : index
    %get3A_51 = vector.load %arg7[%get3A_49, %get3A_50] : memref<256x128xf32, #tpu.memory_space<vmem>>, vector<256x128xf32>
    %dot_general3A_52 = arith.constant dense<0.000000e+00> : vector<10000x128xf32>
    %dot_general3A_53 = tpu.matmul %max3A_48, %get3A_51, %dot_general3A_52 {dimension_numbers = #tpu.dot_dimension_numbers<[1], [0], [0], [1], [0, 0, 1, 1], [], []>, transpose_lhs_hint = false} : vector<10000x256xf32>, vector<256x128xf32>, vector<10000x128xf32> -> vector<10000x128xf32>
    %get3A_54 = arith.constant 0 : index
    %get3A_55 = arith.constant 0 : index
    %get3A_56 = vector.load %arg8[%get3A_54, %get3A_55] : memref<1x128xf32, #tpu.memory_space<vmem>>, vector<1x128xf32>
    %add3A_57 = vector.broadcast %get3A_56 : vector<1x128xf32> to vector<10000x128xf32>
    %add3A_58 = arith.addf %dot_general3A_53, %add3A_57 : vector<10000x128xf32>
    %max3A_59 = arith.constant 0.000000e+00 : f32
    %max3A_60 = vector.broadcast %max3A_59 : f32 to vector<10000x128xf32>
    %max3A_61 = arith.maximumf %add3A_58, %max3A_60 : vector<10000x128xf32>
    %add3A_62 = arith.addf %get3A_1, %max3A_61 : vector<10000x128xf32>
    %swap3A = arith.constant 0 : index
    %swap3A_63 = arith.constant 0 : index
    %swap3A_64 = vector.load %arg9[%swap3A, %swap3A_63] : memref<10000x128xf32, #tpu.memory_space<vmem>>, vector<10000x128xf32>
    tpu.vector_store %arg9[%swap3A, %swap3A_63], %add3A_62 {strides = array<i32>} : memref<10000x128xf32, #tpu.memory_space<vmem>>, vector<10000x128xf32>,
    return
  }
}

</mosaic_0001>

<sc_bundles>
// kernel: kernel.4.cloned.1.call-start
scs
__scs_entry_jumppad:
0x0: {  	(pc) =	sbr.rel $0x88, $3  }
0x1: {  	(tag) =	ssettag $0x0;
	lr =	simm.s32 $0x1  }
0x2: {  	[smem:$0x3F99] =	sst lr;
	_ =	strace $0xD0000000  }
0x3: {  	_ = 	snop  }
0x4: {  	_ = 	snop  }
0x5: {  	_ = 	snop  }
0x6: {  	_ = 	snop  }
0x7: {  	_ = 	snop  }
__scs_overlays_trampoline_lowered:
0x8: {  	[smem:$0x3FA8] =	sst s0  }
0x9: {  	[smem:$0x3FA9] =	sst s1  }
0xa: {  	[smem:$0x3FAA] =	sst s2  }
0xb: {  	[smem:$0x3FAB] =	sst s3  }
0xc: {  	[smem:$0x3FAC] =	sst s4  }
0xd: {  	[smem:$0x3FAD] =	sst s5  }
0xe: {  	[smem:$0x3FAE] =	sst s6  }
0xf: {  	[smem:$0x3FAF] =	sst s7  }
0x10: {  	[smem:$0x3FB0] =	sst s8  }
0x11: {  	[smem:$0x3FB1] =	sst s9;
	s0 =	simm.s32 @!p0 $0x0  }
0x12: {  	s1 =	sld [smem:$0x3F97];
	s0 =	simm.s32 @p0 $0x1  }
0x13: {  	[smem:$0x3FB2] =	sst s0;
	s0 =	simm.s32 @!p1 $0x0  }
0x14: {  	s2 =	sld [smem:$0x3F96];
	s0 =	simm.s32 @p1 $0x1  }
0x15: {  	[smem:$0x3FB3] =	sst s0;
	s0 =	simm.s32 @!p2 $0x0  }
0x16: {  	s3 =	sld [smem:$0x3FDB];
	s0 =	simm.s32 @p2 $0x1  }
0x17: {  	s4 =	simm.s32 $0x1BF5;
	[smem:$0x3FB5] =	sst s0  }
0x18: {  	s0 =	sld [smem:$0x3F98];
	_ =	swait.ge [sflag:s4], $0x0  }
0x19: {  	s7 =	sld [smem:$0x3F99]  }
0x1a: {  	s8 =	sadd.s32 $0xFFFFE003, lr  }
0x1b: {  	s9 =	sadd.s32 $0xFFFFFEF7, lr;
	s5 =	simm.s32 $0xFFFFFFFF;
	p2 =	slt.u32 s8, $0xFFFFF086  }
0x1c: {  	p1 =	slt.u32 s9, $0xF7A;
	s5 =	simm.s32 @!p2 $0x0  }
0x1d: {  	s5 =	simm.s32 @p1 $0x1;
	p0 =	seq.s32 s7, s2  }
0x1e: {  	s7 =	smul.u32 @!p0 $0xF7A, s2;
	p2 =	seq.s32 @!p0 s5, $0x0  }
0x1f: {  	s9 =	smul.u32 $0xF7A, s1;
	s8 =	simm.s32 @!p0 $0x1BF5;
	p2 =	por !p2, p0  }
0x20: {  	[sflag:s8] =	ssyncset.s32 @!p0 $0xFFFFF086;
	s6 =	sadd.s32 @!p0 s3, s7;
	s7 =	simm.s32 @!p0 $0x108  }
0x21: {  	s3 =	sadd.s32 s3, s9;
	s6 =	sadd.s32 @!p0 $0x88, s6;
	s7 =	simm.s32 @p2 $0x1082  }
0x22: {  	[simem:s7], [sflag:s8] =	dma.local @!p0 [hbm:s6], $0xF7A  }
0x23: {  	s9 =	sor.u32 $0xD0000000, s2;
	s6 =	simm.s32 $0x108;
	_ =	swait.ge @!p0 [sflag:s8], $0x0  }
0x24: {  	s3 =	sadd.s32 $0x88, s3;
	s6 =	simm.s32 @!p1 $0x1082;
	[sflag:s4] =	ssyncset.s32 $0xFFFFF086  }
0x25: {  	[simem:s6], [sflag:s4] =	dma.local [hbm:s3], $0xF7A  }
0x26: {  	[smem:$0x3F99] =	sst s1;
	(tag) =	ssettag s2;
	_ =	strace s9  }
0x27: {  	s1 =	sld [smem:$0x3FA9]  }
0x28: {  	s2 =	sld [smem:$0x3FAA]  }
0x29: {  	s4 =	sld [smem:$0x3FAC]  }
0x2a: {  	p0 =	seq.s32 s5, $0x0;
	s5 =	sld [smem:$0x3FAD]  }
0x2b: {  	s6 =	sld [smem:$0x3FAE]  }
0x2c: {  	s7 =	sld [smem:$0x3FAF]  }
0x2d: {  	s3 =	simm.s32 $0x108;
	s8 =	sld [smem:$0x3FB0]  }
0x2e: {  	s3 =	simm.s32 @!p0 $0x1082;
	s9 =	sld [smem:$0x3FB1]  }
0x2f: {  	lr =	sadd.s32 s0, s3;
	s0 =	sld [smem:$0x3FA8]  }
0x30: {  	s3 =	sld [smem:$0x3FAB]  }
0x31: {  	[smem:$0x3FB4] =	sst s10  }
0x32: {  	s10 =	sld [smem:$0x3FB2];
	_ =	sdelay $0x3  }
0x33: {  	p0 =	seq.s32 s10, $0x1;
	s10 =	sld [smem:$0x3FB4];
	_ =	sdelay $0x3  }
0x34: {  	[smem:$0x3FB4] =	sst s10  }
0x35: {  	s10 =	sld [smem:$0x3FB3];
	_ =	sdelay $0x3  }
0x36: {  	p1 =	seq.s32 s10, $0x1;
	s10 =	sld [smem:$0x3FB4];
	_ =	sdelay $0x3  }
0x37: {  	[smem:$0x3FB4] =	sst s10  }
0x38: {  	s10 =	sld [smem:$0x3FB5]  }
0x39: {  	_ = 	snop;
	(pc) =	sbr.ind lr, $3  }
0x3a: {  	_ = 	snop  }
0x3b: {  	_ = 	snop  }
0x3c: {  	p2 =	seq.s32 s10, $0x1;
	s10 =	sld [smem:$0x3FB4]  }
0x3d: {  	_ =	shalt  }
0x3e: {  	_ =	shalt  }
0x3f: {  	_ =	shalt  }
0x40: {  	_ =	shalt  }
0x41: {  	_ =	shalt  }
0x42: {  	_ =	shalt  }
0x43: {  	_ =	shalt  }
0x44: {  	_ =	shalt  }
0x45: {  	_ =	shalt  }
0x46: {  	_ =	shalt  }
0x47: {  	_ =	shalt  }
0x48: {  	_ =	shalt  }
0x49: {  	_ =	shalt  }
0x4a: {  	_ =	shalt  }
0x4b: {  	_ =	shalt  }
0x4c: {  	_ =	shalt  }
0x4d: {  	_ =	shalt  }
0x4e: {  	_ =	shalt  }
0x4f: {  	_ =	shalt  }
0x50: {  	_ =	shalt  }
0x51: {  	_ =	shalt  }
0x52: {  	_ =	shalt  }
0x53: {  	_ =	shalt  }
0x54: {  	_ =	shalt  }
0x55: {  	_ =	shalt  }
0x56: {  	_ =	shalt  }
0x57: {  	_ =	shalt  }
0x58: {  	_ =	shalt  }
0x59: {  	_ =	shalt  }
0x5a: {  	_ =	shalt  }
0x5b: {  	_ =	shalt  }
0x5c: {  	_ =	shalt  }
0x5d: {  	_ =	shalt  }
0x5e: {  	_ =	shalt  }
0x5f: {  	_ =	shalt  }
0x60: {  	_ =	shalt  }
0x61: {  	_ =	shalt  }
0x62: {  	_ =	shalt  }
0x63: {  	_ =	shalt  }
0x64: {  	_ =	shalt  }
0x65: {  	_ =	shalt  }
0x66: {  	_ =	shalt  }
0x67: {  	_ =	shalt  }
0x68: {  	_ =	shalt  }
0x69: {  	_ =	shalt  }
0x6a: {  	_ =	shalt  }
0x6b: {  	_ =	shalt  }
0x6c: {  	_ =	shalt  }
0x6d: {  	_ =	shalt  }
0x6e: {  	_ =	shalt  }
0x6f: {  	_ =	shalt  }
0x70: {  	_ =	shalt  }
0x71: {  	_ =	shalt  }
0x72: {  	_ =	shalt  }
0x73: {  	_ =	shalt  }
0x74: {  	_ =	shalt  }
0x75: {  	_ =	shalt  }
0x76: {  	_ =	shalt  }
0x77: {  	_ =	shalt  }
0x78: {  	_ =	shalt  }
0x79: {  	_ =	shalt  }
0x7a: {  	_ =	shalt  }
0x7b: {  	_ =	shalt  }
0x7c: {  	_ =	shalt  }
0x7d: {  	_ =	shalt  }
0x7e: {  	_ =	shalt  }
0x7f: {  	_ =	shalt  }
0x80: {  	_ =	shalt  }
0x81: {  	_ =	shalt  }
0x82: {  	_ =	shalt  }
0x83: {  	_ =	shalt  }
0x84: {  	_ =	shalt  }
0x85: {  	_ =	shalt  }
0x86: {  	_ =	shalt  }
0x87: {  	_ =	shalt  }
.Lfunc_end0:
.L_simem_size_0:
called_computation_lowered:
.L_overlay_start_0:
0x88: {  	s2 =	sld [smem:$0x3FD9]  }
0x89: {  	s3 =	sld [smem:$0x3FFE];
	_ =	sdelay $0x1  }
0x8a: {  	s1 =	srdreg.scid  }
0x8b: {  	s0 =	sand.u32 $0x1, s1  }
0x8c: {  	s17 =	sshll.u32 s0, $0xA;
	s2 =	sadd.s32 s3, s2  }
0x8d: {  	s2 =	sadd.s32 s2, s17  }
0x8e: {  	[smem:$0x3FC0] =	sst s2  }
0x8f: {  	_ = 	snop  }
0x90: {  	s2 =	sld [smem:$0x3FD0];
	(tm) =	ssettm $0x1  }
0x91: {  	s18 =	sld [smem:$0x3FFB];
	_ =	sdelay $0x3  }
0x92: {  	_ =	strace s18  }
0x93: {  	s3 =	sld [smem:$0x3FFC];
	_ =	sdelay $0x3  }
0x94: {  	_ =	strace s3  }
0x95: {  	s3 =	sld [smem:$0x3FFD];
	_ =	sdelay $0x3  }
0x96: {  	_ =	strace s3  }
0x97: {  	_ =	strace $0x8FFFFFFF  }
0x98: {  	s19 =	sld [smem:$0x3FDB];
	_ =	sdelay $0x1  }
0x99: {  	s4 =	simm.s32 $_scs_section_size  }
0x9a: {  	s5 =	simm.s32 $_size__tile_overlayer_lowered;
	s6 =	simm.s32 $_tile_overlayer_lowered  }
0x9b: {  	s22 =	simm.s32 $0x1BFF;
	s21 =	sshll.u32 s6, $0x1;
	s3 =	sadd.s32 s4, s19  }
0x9c: {  	s7 =	simm.s32 $0x0;
	s20 =	sshll.u32 s5, $0x1;
	s5 =	sadd.s32 s21, s3  }
0x9d: {  	[timem:s7], [sflag:s22] =	dma.local [hbm:s5], s20  }
0x9e: {  	_ =	swait.ge [sflag:s22], s20  }
0x9f: {  	s4 =	ssub.s32 $0x0, s20;
	[sflag:s22] =	ssyncset.done $0x0  }
0xa0: {  	[sflag:s22] =	ssyncadd.s32 s4;
	_ =	sdelay $0x1  }
0xa1: {  	s23 =	simm.s32 $0x1B8B  }
0xa2: {  	_ =	swait.ge [sflag:s23], $0x1  }
0xa3: {  	[sflag:s23] =	ssyncset.done $0x0  }
0xa4: {  	s25 =	simm.s32 $0x1B8E;
	s24 =	sld [smem:$0x3FFE];
	[sflag:s23] =	ssyncadd.s32 $0xFFFFFFFF  }
0xa5: {  	s26 =	simm.s32 $execute0_lowered;
	[smem:$0x3FD2] =	sst s25  }
0xa6: {  	s5 =	sshll.u32 s26, $0x1;
	_ =	strace $0x80000046;
	[dreg:$0x1] =	wrdreg $0xFFFFFFFF  }
0xa7: {  	s28 =	simm.s32 $_size_execute0_lowered;
	s3 =	sadd.s32 s3, s5;
	[dreg:$0x0] =	wrdreg $0x0  }
0xa8: {  	s5 =	sshll.u32 s28, $0x1;
	[dreg:$0x2] =	wrdreg s3  }
0xa9: {  	[dreg:$0x3] =	wrdreg s5  }
0xaa: {  	[dreg:$0x4] =	wrdreg $0xC0  }
0xab: {  	_ =	task [dreg:s7], $0x5FFFF  }
0xac: {  	[dreg:$0x1] =	wrdreg $0xFFFFFFFF  }
0xad: {  	[dreg:$0x0] =	wrdreg $0x60  }
0xae: {  	[dreg:$0x2] =	wrdreg s24  }
0xaf: {  	[dreg:$0x3] =	wrdreg s2  }
0xb0: {  	[dreg:$0x4] =	wrdreg $0x9  }
0xb1: {  	_ =	task.clear_ibuf [dreg:s7], $0x5FFFF;
	_ =	strace $0x90000046  }
0xb2: {  	s29 =	simm.s32 $0x9;
	_ =	strace $0x80000048  }
0xb3: {  	_ =	swait.ge [sflag:s29], $0x1  }
0xb4: {  	[sflag:s29] =	ssyncadd.s32 $0xFFFFFFFF  }
0xb5: {  	_ =	strace $0x90000048  }
0xb6: {  	_ =	sfence  }
0xb7: {  	s30 =	sld [smem:$0x0];
	_ =	sdelay $0x2  }
0xb8: {  	s31 =	sshll.u32 s1, $0xD;
	s1 =	sshrl.u32 s1, $0x2  }
0xb9: {  	s3 =	sand.u32 $0x4000, s31;
	s1 =	sadd.s32 s1, s30  }
0xba: {  	s0 =	sor.u32 s3, s0;
	s1 =	sshll.u32 s1, $0x11  }
0xbb: {  	s0 =	sor.u32 s1, s0  }
0xbc: {  	s0 =	sadd.s32 $0x8F2B, s0  }
0xbd: {  	[sflag:s0] =	ssyncadd.remote.s32 $0x1  }
0xbe: {  	_ =	sfence.sel $0xFFFF  }
0xbf: {  	[dreg:$0x0] =	wrdreg $0xFFFFFFFF;
	(pc) =	sbr.abs _section_cstart, $3  }
0xc0: {  	[dreg:$0x1] =	wrdreg $0xFFFFFFFF  }
0xc1: {  	_ =	task.clear_ibuf [dreg:s7], $0x2FFFF;
	_ =	strace $0x9FFFFFFF  }
0xc2: {  	(tm) =	ssettm $0x7FFFFFFF  }
0xc3: {  	_ =	shalt  }
tec
execute0_lowered:
.L_overlay_start_1:
0x0: {  	(tag) =	ssettag $0x1  }
0x1: {  	s0 =	rddreg [dreg:$0x0]  }
0x2: {  	s1 =	srdreg.scid;
	s5 =	stileid.u32  }
0x3: {  	s2 =	rddreg [dreg:$0x1];
	s15 =	simm.s32 $0x80;
	s16 =	simm.s32 $0x400  }
0x4: {  	s17 =	simm.s32 $0x3;
	s20 =	simm.s32 $0x1;
	s21 =	simm.s32 $0x1DF00  }
0x5: {  	s22 =	simm.s32 $0x1EC00;
	s28 =	simm.s32 $0x13A80;
	s29 =	simm.s32 $0x16200  }
0x6: {  	s30 =	simm.s32 $0x18980;
	s31 =	simm.s32 $0x1B100;
	s18 =	simm.s32 $0x0  }
0x7: {  	s1 =	sand.u32 $0x1, s1;
	s3 =	sshll.u32 s5, $0x1;
	s5 =	sshrl.u32 s5, $0x2  }
0x8: {  	s4 =	sor.u32 s1, s3;
	s3 =	simm.s32 $0x0;
	s5 =	smul.u32 $0x4E400, s5  }
0x9: {  	s1 =	ssub.s32 $0x2, s1;
	s6 =	sshll.u32 s4, $0x7;
	[smem:$0x7FF] =	sst s3  }
0xa: {  	s23 =	smul.u32 $0x2780, s4;
	s7 =	sshrl.u32 s1, $0x1;
	s6 =	sand.u32 $0x380, s6  }
0xb: {  	s4 =	sadd.s32 $0x1600, s0;
	s1 =	ssub.s32 s1, s7;
	s5 =	sor.u32 s5, s6  }
0xc: {  	_ =	strace $0x80000047;
	s14 =	smax.u32 s1, $0x1;
	s5 =	sshrl.u32 s5, $0x3  }
0xd: {  	s1 =	simm.s32 $0x2;
	s5 =	sadd.s32 s5, s0;
	s0 =	sadd.s32 s23, s0  }
0xe: {  	s23 =	simm.s32 $0x9C80;
	s5 =	sadd.s32 $0xB400, s5;
	s24 =	sadd.s32 $0x32600, s0  }
0xf: {  	s25 =	sadd.s32 $0x32610, s0;
	s26 =	sadd.s32 $0x32620, s0;
	[dreg:$0x3] =	wrdreg s5  }
0x10: {  	s9 =	sadd.s32 $0x32630, s0;
	s10 =	sadd.s32 $0x32640, s0;
	[dreg:$0x4] =	wrdreg s24  }
0x11: {  	s11 =	sadd.s32 $0x32650, s0;
	s12 =	sadd.s32 $0x32660, s0;
	[dreg:$0x5] =	wrdreg s25  }
0x12: {  	s13 =	sadd.s32 $0x32670, s0;
	s0 =	simm.s32 $0x0;
	[dreg:$0x6] =	wrdreg s26  }
0x13: {  	v0 =	vimm.f32 $0.0e+00;
	s24 =	simm.s32 $0xC400;
	s25 =	simm.s32 $0xEB80;
	s26 =	simm.s32 $0x11300  }
.LBB2_1:
0x14: {  	s5 =	rddreg [dreg:$0x3]  }
0x15: {  	[tilespmem:s3], [sflag:$0x3] =	stream.strided.gather [hbm4b:s5+s15], $0x9C80, s16, s15, $0x38;
	[tilespmem:$0x1F280] =	vst v63  }
0x16: {  	_ =	swait.ge [sflag:s17], $0x9C80  }
0x17: {  	[sflag:s17] =	ssyncset.done $0x0  }
0x18: {  	s6 =	simm.s32 $0x40;
	s5 =	simm.s32 $0x0;
	[sflag:s17] =	ssyncadd.s32 $0xFFFF6380  }
.LBB2_2:
0x19: {  	p0 =	sne.s32 s6, $0x9C00;
	[tilespmem:s5+$0x1B100] =	vst v0  }
0x1a: {  	[tilespmem:s5+$0x9C80] =	vst v0  }
0x1b: {  	[tilespmem:s5+$0xC400] =	vst v0  }
.Ltmp0:
0x1c: {  	[tilespmem:s5+$0xEB80] =	vst v0;
	(pc) =	sbr.rel @p0 .LBB2_2-.Ltmp0, $4  }
0x1d: {  	[tilespmem:s5+$0x11300] =	vst v0  }
0x1e: {  	[tilespmem:s5+$0x13A80] =	vst v0  }
0x1f: {  	[tilespmem:s5+$0x16200] =	vst v0  }
0x20: {  	[tilespmem:s5+$0x18980] =	vst v0;
	s5 =	sshra.s32 s6, $0x2;
	s6 =	sadd.s32 $0x40, s6  }
0x21: {  	[tilespmem:s5+$0x1B100] =	vst v0  }
0x22: {  	[tilespmem:s5+$0x9C80] =	vst v0  }
0x23: {  	[tilespmem:s5+$0xC400] =	vst v0  }
0x24: {  	[tilespmem:s5+$0xEB80] =	vst v0  }
0x25: {  	[tilespmem:s5+$0x11300] =	vst v0  }
0x26: {  	[tilespmem:s5+$0x13A80] =	vst v0  }
0x27: {  	[tilespmem:s5+$0x16200] =	vst v0  }
0x28: {  	[tilespmem:s5+$0x18980] =	vst v0;
	s8 =	simm.s32 $0x1D880  }
0x29: {  	[tilespmem:s8], [sflag:$0x1] =	stream.linear.gather [hbm4b:s4+s18], $0x640, $0x38;
	[tilespmem:$0x1F280] =	vst v63  }
0x2a: {  	s19 =	simm.s32 $0x1E580  }
0x2b: {  	[tilespmem:s19], [sflag:$0x1] =	stream.linear.gather [hbm4b:s2+s18], $0x640, $0x38;
	[tilespmem:$0x1F280] =	vst v63  }
0x2c: {  	s19 =	simm.s32 $0x0  }
.LBB2_4:
0x2d: {  	_ =	swait.ge [sflag:s20], $0x640  }
0x2e: {  	s5 =	smul.u32 $0xC80, s19;
	[sflag:s20] =	ssyncset.done $0x0  }
0x2f: {  	[sflag:s20] =	ssyncadd.s32 $0xFFFFF9C0  }
0x30: {  	s6 =	sshrl.u32 s5, $0x3;
	_ =	swait.ge [sflag:s20], $0x640  }
0x31: {  	s6 =	sadd.s32 $0xC8, s6;
	[sflag:s20] =	ssyncset.done $0x0  }
0x32: {  	s7 =	sadd.s32 s4, s6;
	[sflag:s20] =	ssyncadd.s32 $0xFFFFF9C0  }
0x33: {  	[tilespmem:s21], [sflag:$0x2] =	stream.linear.gather [hbm4b:s7+s18], $0x640, $0x38;
	[tilespmem:$0x1F280] =	vst v63  }
0x34: {  	s6 =	sadd.s32 s2, s6  }
0x35: {  	[tilespmem:s22], [sflag:$0x2] =	stream.linear.gather [hbm4b:s6+s18], $0x640, $0x38;
	[tilespmem:$0x1F280] =	vst v63  }
0x36: {  	s6 =	simm.s32 $0x0  }
.LBB2_5:
0x37: {  	s7 =	sshra.s32 s6, $0x2  }
0x38: {  	v1 =	vld [tilespmem:s7+$0x1D880];
	_ =	sdelay $0x7  }
0x39: {  	v2 =	vld.idx.msk [tilespmem:v1+s3+$0x0], $0xffff;
	_ =	sdelay $0x4  }
0x3a: {  	v2 =	vmax.f32 v2, $0.0e+00  }
0x3b: {  	v2 =	vadd.f32 $1.000000010e-07, v2;
	_ =	sdelay $0x1  }
0x3c: {  	v3 =	vmul.f32 $1.442695020e+00, v2;
	_ =	sdelay $0x1  }
0x3d: {  	(erf) = vpow2.f32 v3;
	_ =	sdelay $0x2  }
0x3e: {  	v3 =	vld [tilespmem:s7+$0x1E580];
	_ =	sdelay $0x4  }
0x3f: {  	v4 =	vadd.s32 $0x2710, v1  }
0x40: {  	v5 =	vpop (erf)  }
0x41: {  	v2 =	vmul.f32 v5, v2  }
0x42: {  	[tilespmem:v3+s23+$0x0] =	vst.idx.add.f32.msk $0xffff, v5  }
0x43: {  	[tilespmem:v3+s24+$0x0] =	vst.idx.add.f32.msk $0xffff, v2  }
0x44: {  	v2 =	vld.idx.msk [tilespmem:v4+s3+$0x0], $0xffff;
	_ =	sdelay $0x4  }
0x45: {  	v2 =	vmax.f32 v2, $0.0e+00  }
0x46: {  	v2 =	vadd.f32 $1.000000010e-07, v2;
	_ =	sdelay $0x1  }
0x47: {  	v42 =	vmul.f32 $1.442695020e+00, v2;
	_ =	sdelay $0x1  }
0x48: {  	(erf) = vpow2.f32 v42;
	_ =	sdelay $0x7  }
0x49: {  	v43 =	vadd.s32 $0x4E20, v1  }
0x4a: {  	v44 =	vpop (erf)  }
0x4b: {  	v2 =	vmul.f32 v44, v2  }
0x4c: {  	[tilespmem:v3+s25+$0x0] =	vst.idx.add.f32.msk $0xffff, v44  }
0x4d: {  	[tilespmem:v3+s26+$0x0] =	vst.idx.add.f32.msk $0xffff, v2  }
0x4e: {  	v2 =	vld.idx.msk [tilespmem:v43+s3+$0x0], $0xffff;
	_ =	sdelay $0x4  }
0x4f: {  	v2 =	vmax.f32 v2, $0.0e+00  }
0x50: {  	v2 =	vadd.f32 $1.000000010e-07, v2;
	_ =	sdelay $0x1  }
0x51: {  	v45 =	vmul.f32 $1.442695020e+00, v2;
	_ =	sdelay $0x1  }
0x52: {  	(erf) = vpow2.f32 v45;
	_ =	sdelay $0x7  }
0x53: {  	v1 =	vadd.s32 $0x7530, v1  }
0x54: {  	v4 =	vpop (erf)  }
0x55: {  	v2 =	vmul.f32 v4, v2  }
0x56: {  	[tilespmem:v3+s28+$0x0] =	vst.idx.add.f32.msk $0xffff, v4  }
0x57: {  	[tilespmem:v3+s29+$0x0] =	vst.idx.add.f32.msk $0xffff, v2  }
0x58: {  	v1 =	vld.idx.msk [tilespmem:v1+s3+$0x0], $0xffff;
	_ =	sdelay $0x4  }
0x59: {  	v1 =	vmax.f32 v1, $0.0e+00  }
0x5a: {  	v1 =	vadd.f32 $1.000000010e-07, v1;
	_ =	sdelay $0x1  }
0x5b: {  	v2 =	vmul.f32 $1.442695020e+00, v1;
	_ =	sdelay $0x1  }
0x5c: {  	(erf) = vpow2.f32 v2;
	_ =	sdelay $0x8  }
0x5d: {  	v2 =	vpop (erf)  }
0x5e: {  	v1 =	vmul.f32 v2, v1  }
0x5f: {  	[tilespmem:v3+s30+$0x0] =	vst.idx.add.f32.msk $0xffff, v2  }
0x60: {  	[tilespmem:v3+s31+$0x0] =	vst.idx.add.f32.msk $0xffff, v1  }
0x61: {  	v1 =	vld [tilespmem:s7+$0x1D890];
	_ =	sdelay $0x7  }
0x62: {  	v2 =	vld.idx.msk [tilespmem:v1+s3+$0x0], $0xffff;
	_ =	sdelay $0x4  }
0x63: {  	v2 =	vmax.f32 v2, $0.0e+00  }
0x64: {  	v2 =	vadd.f32 $1.000000010e-07, v2;
	_ =	sdelay $0x1  }
0x65: {  	v3 =	vmul.f32 $1.442695020e+00, v2;
	_ =	sdelay $0x1  }
0x66: {  	(erf) = vpow2.f32 v3;
	_ =	sdelay $0x2  }
0x67: {  	v3 =	vld [tilespmem:s7+$0x1E590];
	_ =	sdelay $0x4  }
0x68: {  	v46 =	vadd.s32 $0x2710, v1  }
0x69: {  	v47 =	vpop (erf)  }
0x6a: {  	v2 =	vmul.f32 v47, v2  }
0x6b: {  	[tilespmem:v3+s23+$0x0] =	vst.idx.add.f32.msk $0xffff, v47  }
0x6c: {  	[tilespmem:v3+s24+$0x0] =	vst.idx.add.f32.msk $0xffff, v2  }
0x6d: {  	v2 =	vld.idx.msk [tilespmem:v46+s3+$0x0], $0xffff;
	_ =	sdelay $0x4  }
0x6e: {  	v2 =	vmax.f32 v2, $0.0e+00  }
0x6f: {  	v2 =	vadd.f32 $1.000000010e-07, v2;
	_ =	sdelay $0x1  }
0x70: {  	v48 =	vmul.f32 $1.442695020e+00, v2;
	_ =	sdelay $0x1  }
0x71: {  	(erf) = vpow2.f32 v48;
	_ =	sdelay $0x7  }
0x72: {  	v49 =	vadd.s32 $0x4E20, v1  }
0x73: {  	v50 =	vpop (erf)  }
0x74: {  	v2 =	vmul.f32 v50, v2  }
0x75: {  	[tilespmem:v3+s25+$0x0] =	vst.idx.add.f32.msk $0xffff, v50  }
0x76: {  	[tilespmem:v3+s26+$0x0] =	vst.idx.add.f32.msk $0xffff, v2  }
0x77: {  	v2 =	vld.idx.msk [tilespmem:v49+s3+$0x0], $0xffff;
	_ =	sdelay $0x4  }
0x78: {  	v2 =	vmax.f32 v2, $0.0e+00  }
0x79: {  	v2 =	vadd.f32 $1.000000010e-07, v2;
	_ =	sdelay $0x1  }
0x7a: {  	v51 =	vmul.f32 $1.442695020e+00, v2;
	_ =	sdelay $0x1  }
0x7b: {  	(erf) = vpow2.f32 v51;
	_ =	sdelay $0x7  }
0x7c: {  	v1 =	vadd.s32 $0x7530, v1  }
0x7d: {  	v4 =	vpop (erf)  }
0x7e: {  	v2 =	vmul.f32 v4, v2  }
0x7f: {  	[tilespmem:v3+s28+$0x0] =	vst.idx.add.f32.msk $0xffff, v4  }
0x80: {  	[tilespmem:v3+s29+$0x0] =	vst.idx.add.f32.msk $0xffff, v2  }
0x81: {  	v1 =	vld.idx.msk [tilespmem:v1+s3+$0x0], $0xffff;
	_ =	sdelay $0x4  }
0x82: {  	v1 =	vmax.f32 v1, $0.0e+00  }
0x83: {  	v1 =	vadd.f32 $1.000000010e-07, v1;
	_ =	sdelay $0x1  }
0x84: {  	v2 =	vmul.f32 $1.442695020e+00, v1;
	_ =	sdelay $0x1  }
0x85: {  	(erf) = vpow2.f32 v2;
	_ =	sdelay $0x8  }
0x86: {  	v2 =	vpop (erf)  }
0x87: {  	v1 =	vmul.f32 v2, v1  }
0x88: {  	[tilespmem:v3+s30+$0x0] =	vst.idx.add.f32.msk $0xffff, v2  }
0x89: {  	[tilespmem:v3+s31+$0x0] =	vst.idx.add.f32.msk $0xffff, v1  }
0x8a: {  	v1 =	vld [tilespmem:s7+$0x1D8A0];
	_ =	sdelay $0x7  }
0x8b: {  	v2 =	vld.idx.msk [tilespmem:v1+s3+$0x0], $0xffff;
	_ =	sdelay $0x4  }
0x8c: {  	v2 =	vmax.f32 v2, $0.0e+00  }
0x8d: {  	v2 =	vadd.f32 $1.000000010e-07, v2;
	_ =	sdelay $0x1  }
0x8e: {  	v3 =	vmul.f32 $1.442695020e+00, v2;
	_ =	sdelay $0x1  }
0x8f: {  	(erf) = vpow2.f32 v3;
	_ =	sdelay $0x2  }
0x90: {  	v3 =	vld [tilespmem:s7+$0x1E5A0];
	_ =	sdelay $0x4  }
0x91: {  	v52 =	vadd.s32 $0x2710, v1  }
0x92: {  	v53 =	vpop (erf)  }
0x93: {  	v2 =	vmul.f32 v53, v2  }
0x94: {  	[tilespmem:v3+s23+$0x0] =	vst.idx.add.f32.msk $0xffff, v53  }
0x95: {  	[tilespmem:v3+s24+$0x0] =	vst.idx.add.f32.msk $0xffff, v2  }
0x96: {  	v2 =	vld.idx.msk [tilespmem:v52+s3+$0x0], $0xffff;
	_ =	sdelay $0x4  }
0x97: {  	v2 =	vmax.f32 v2, $0.0e+00  }
0x98: {  	v2 =	vadd.f32 $1.000000010e-07, v2;
	_ =	sdelay $0x1  }
0x99: {  	v54 =	vmul.f32 $1.442695020e+00, v2;
	_ =	sdelay $0x1  }
0x9a: {  	(erf) = vpow2.f32 v54;
	_ =	sdelay $0x7  }
0x9b: {  	v55 =	vadd.s32 $0x4E20, v1  }
0x9c: {  	v56 =	vpop (erf)  }
0x9d: {  	v2 =	vmul.f32 v56, v2  }
0x9e: {  	[tilespmem:v3+s25+$0x0] =	vst.idx.add.f32.msk $0xffff, v56  }
0x9f: {  	[tilespmem:v3+s26+$0x0] =	vst.idx.add.f32.msk $0xffff, v2  }
0xa0: {  	v2 =	vld.idx.msk [tilespmem:v55+s3+$0x0], $0xffff;
	_ =	sdelay $0x4  }
0xa1: {  	v2 =	vmax.f32 v2, $0.0e+00  }
0xa2: {  	v2 =	vadd.f32 $1.000000010e-07, v2;
	_ =	sdelay $0x1  }
0xa3: {  	v57 =	vmul.f32 $1.442695020e+00, v2;
	_ =	sdelay $0x1  }
0xa4: {  	(erf) = vpow2.f32 v57;
	_ =	sdelay $0x7  }
0xa5: {  	v1 =	vadd.s32 $0x7530, v1  }
0xa6: {  	v4 =	vpop (erf)  }
0xa7: {  	v2 =	vmul.f32 v4, v2  }
0xa8: {  	[tilespmem:v3+s28+$0x0] =	vst.idx.add.f32.msk $0xffff, v4  }
0xa9: {  	[tilespmem:v3+s29+$0x0] =	vst.idx.add.f32.msk $0xffff, v2  }
0xaa: {  	v1 =	vld.idx.msk [tilespmem:v1+s3+$0x0], $0xffff;
	_ =	sdelay $0x4  }
0xab: {  	v1 =	vmax.f32 v1, $0.0e+00  }
0xac: {  	v1 =	vadd.f32 $1.000000010e-07, v1;
	_ =	sdelay $0x1  }
0xad: {  	v2 =	vmul.f32 $1.442695020e+00, v1;
	_ =	sdelay $0x1  }
0xae: {  	(erf) = vpow2.f32 v2;
	_ =	sdelay $0x8  }
0xaf: {  	v2 =	vpop (erf)  }
0xb0: {  	v1 =	vmul.f32 v2, v1  }
0xb1: {  	[tilespmem:v3+s30+$0x0] =	vst.idx.add.f32.msk $0xffff, v2  }
0xb2: {  	[tilespmem:v3+s31+$0x0] =	vst.idx.add.f32.msk $0xffff, v1  }
0xb3: {  	v1 =	vld [tilespmem:s7+$0x1D8B0];
	_ =	sdelay $0x7  }
0xb4: {  	v2 =	vld.idx.msk [tilespmem:v1+s3+$0x0], $0xffff;
	_ =	sdelay $0x4  }
0xb5: {  	v2 =	vmax.f32 v2, $0.0e+00  }
0xb6: {  	v2 =	vadd.f32 $1.000000010e-07, v2;
	_ =	sdelay $0x1  }
0xb7: {  	v3 =	vmul.f32 $1.442695020e+00, v2;
	_ =	sdelay $0x1  }
0xb8: {  	(erf) = vpow2.f32 v3;
	_ =	sdelay $0x2  }
0xb9: {  	v3 =	vld [tilespmem:s7+$0x1E5B0];
	_ =	sdelay $0x4  }
0xba: {  	v58 =	vadd.s32 $0x2710, v1  }
0xbb: {  	v59 =	vpop (erf)  }
0xbc: {  	v2 =	vmul.f32 v59, v2  }
0xbd: {  	[tilespmem:v3+s23+$0x0] =	vst.idx.add.f32.msk $0xffff, v59  }
0xbe: {  	[tilespmem:v3+s24+$0x0] =	vst.idx.add.f32.msk $0xffff, v2  }
0xbf: {  	v2 =	vld.idx.msk [tilespmem:v58+s3+$0x0], $0xffff;
	_ =	sdelay $0x4  }
0xc0: {  	v2 =	vmax.f32 v2, $0.0e+00  }
0xc1: {  	v2 =	vadd.f32 $1.000000010e-07, v2;
	_ =	sdelay $0x1  }
0xc2: {  	v60 =	vmul.f32 $1.442695020e+00, v2;
	_ =	sdelay $0x1  }
0xc3: {  	(erf) = vpow2.f32 v60;
	_ =	sdelay $0x7  }
0xc4: {  	v61 =	vadd.s32 $0x4E20, v1  }
0xc5: {  	v62 =	vpop (erf)  }
0xc6: {  	v2 =	vmul.f32 v62, v2  }
0xc7: {  	[tilespmem:v3+s25+$0x0] =	vst.idx.add.f32.msk $0xffff, v62  }
0xc8: {  	[tilespmem:v3+s26+$0x0] =	vst.idx.add.f32.msk $0xffff, v2  }
0xc9: {  	v2 =	vld.idx.msk [tilespmem:v61+s3+$0x0], $0xffff;
	_ =	sdelay $0x4  }
0xca: {  	v2 =	vmax.f32 v2, $0.0e+00  }
0xcb: {  	v2 =	vadd.f32 $1.000000010e-07, v2;
	_ =	sdelay $0x1  }
0xcc: {  	v63 =	vmul.f32 $1.442695020e+00, v2;
	_ =	sdelay $0x1  }
0xcd: {  	(erf) = vpow2.f32 v63;
	_ =	sdelay $0x7  }
0xce: {  	v1 =	vadd.s32 $0x7530, v1  }
0xcf: {  	v4 =	vpop (erf)  }
0xd0: {  	v2 =	vmul.f32 v4, v2  }
0xd1: {  	[tilespmem:v3+s28+$0x0] =	vst.idx.add.f32.msk $0xffff, v4  }
0xd2: {  	[tilespmem:v3+s29+$0x0] =	vst.idx.add.f32.msk $0xffff, v2  }
0xd3: {  	v1 =	vld.idx.msk [tilespmem:v1+s3+$0x0], $0xffff;
	_ =	sdelay $0x4  }
0xd4: {  	v1 =	vmax.f32 v1, $0.0e+00  }
0xd5: {  	v1 =	vadd.f32 $1.000000010e-07, v1;
	_ =	sdelay $0x1  }
0xd6: {  	v2 =	vmul.f32 $1.442695020e+00, v1;
	_ =	sdelay $0x1  }
0xd7: {  	(erf) = vpow2.f32 v2;
	_ =	sdelay $0x6  }
0xd8: {  	p0 =	sne.s32 s6, $0x1800  }
.Ltmp1:
0xd9: {  	_ = 	snop;
	(pc) =	sbr.rel @p0 .LBB2_5-.Ltmp1, $4  }
0xda: {  	v2 =	vpop (erf)  }
0xdb: {  	v1 =	vmul.f32 v2, v1  }
0xdc: {  	[tilespmem:v3+s30+$0x0] =	vst.idx.add.f32.msk $0xffff, v2  }
0xdd: {  	s6 =	sadd.s32 $0x100, s6;
	[tilespmem:v3+s31+$0x0] =	vst.idx.add.f32.msk $0xffff, v1  }
0xde: {  	_ =	swait.ge [sflag:s1], $0x640  }
0xdf: {  	[sflag:s1] =	ssyncset.done $0x0  }
0xe0: {  	p0 =	seq.s32 s19, $0x63;
	[sflag:s1] =	ssyncadd.s32 $0xFFFFF9C0  }
0xe1: {  	s5 =	sshrl.u32 @!p0 s5, $0x3;
	_ =	swait.ge [sflag:s1], $0x640  }
0xe2: {  	s7 =	simm.s32 @!p0 $0x0;
	s5 =	sadd.s32 @!p0 $0x190, s5;
	[sflag:s1] =	ssyncset.done $0x0  }
0xe3: {  	s8 =	simm.s32 @!p0 $0x1D880;
	s6 =	sadd.s32 @!p0 s4, s5;
	[sflag:s1] =	ssyncadd.s32 $0xFFFFF9C0  }
0xe4: {  	[tilespmem:s8], [sflag:$0x1] =	stream.linear.gather @!p0 [hbm4b:s6+s7], $0x640, $0x38;
	[tilespmem:$0x1F280] =	vst v63  }
0xe5: {  	s5 =	sadd.s32 @!p0 s2, s5;
	s6 =	simm.s32 @!p0 $0x1E580  }
0xe6: {  	[tilespmem:s6], [sflag:$0x1] =	stream.linear.gather @!p0 [hbm4b:s5+s7], $0x640, $0x38;
	[tilespmem:$0x1F280] =	vst v63  }
0xe7: {  	s5 =	simm.s32 $0x0  }
.LBB2_7:
0xe8: {  	s6 =	sshra.s32 s5, $0x2  }
0xe9: {  	v1 =	vld [tilespmem:s6+$0x1DF00];
	_ =	sdelay $0x7  }
0xea: {  	v2 =	vld.idx.msk [tilespmem:v1+s3+$0x0], $0xffff;
	_ =	sdelay $0x4  }
0xeb: {  	v2 =	vmax.f32 v2, $0.0e+00  }
0xec: {  	v2 =	vadd.f32 $1.000000010e-07, v2;
	_ =	sdelay $0x1  }
0xed: {  	v3 =	vmul.f32 $1.442695020e+00, v2;
	_ =	sdelay $0x1  }
0xee: {  	(erf) = vpow2.f32 v3;
	_ =	sdelay $0x2  }
0xef: {  	v3 =	vld [tilespmem:s6+$0x1EC00];
	_ =	sdelay $0x4  }
0xf0: {  	v4 =	vadd.s32 $0x2710, v1  }
0xf1: {  	v5 =	vpop (erf)  }
0xf2: {  	v2 =	vmul.f32 v5, v2  }
0xf3: {  	[tilespmem:v3+s23+$0x0] =	vst.idx.add.f32.msk $0xffff, v5  }
0xf4: {  	[tilespmem:v3+s24+$0x0] =	vst.idx.add.f32.msk $0xffff, v2  }
0xf5: {  	v2 =	vld.idx.msk [tilespmem:v4+s3+$0x0], $0xffff;
	_ =	sdelay $0x4  }
0xf6: {  	v2 =	vmax.f32 v2, $0.0e+00  }
0xf7: {  	v2 =	vadd.f32 $1.000000010e-07, v2;
	_ =	sdelay $0x1  }
0xf8: {  	v42 =	vmul.f32 $1.442695020e+00, v2;
	_ =	sdelay $0x1  }
0xf9: {  	(erf) = vpow2.f32 v42;
	_ =	sdelay $0x7  }
0xfa: {  	v43 =	vadd.s32 $0x4E20, v1  }
0xfb: {  	v44 =	vpop (erf)  }
0xfc: {  	v2 =	vmul.f32 v44, v2  }
0xfd: {  	[tilespmem:v3+s25+$0x0] =	vst.idx.add.f32.msk $0xffff, v44  }
0xfe: {  	[tilespmem:v3+s26+$0x0] =	vst.idx.add.f32.msk $0xffff, v2  }
0xff: {  	v2 =	vld.idx.msk [tilespmem:v43+s3+$0x0], $0xffff;
	_ =	sdelay $0x4  }
0x100: {  	v2 =	vmax.f32 v2, $0.0e+00  }
0x101: {  	v2 =	vadd.f32 $1.000000010e-07, v2;
	_ =	sdelay $0x1  }
0x102: {  	v45 =	vmul.f32 $1.442695020e+00, v2;
	_ =	sdelay $0x1  }
0x103: {  	(erf) = vpow2.f32 v45;
	_ =	sdelay $0x7  }
0x104: {  	v1 =	vadd.s32 $0x7530, v1  }
0x105: {  	v4 =	vpop (erf)  }
0x106: {  	v2 =	vmul.f32 v4, v2  }
0x107: {  	[tilespmem:v3+s28+$0x0] =	vst.idx.add.f32.msk $0xffff, v4  }
0x108: {  	[tilespmem:v3+s29+$0x0] =	vst.idx.add.f32.msk $0xffff, v2  }
0x109: {  	v1 =	vld.idx.msk [tilespmem:v1+s3+$0x0], $0xffff;
	_ =	sdelay $0x4  }
0x10a: {  	v1 =	vmax.f32 v1, $0.0e+00  }
0x10b: {  	v1 =	vadd.f32 $1.000000010e-07, v1;
	_ =	sdelay $0x1  }
0x10c: {  	v2 =	vmul.f32 $1.442695020e+00, v1;
	_ =	sdelay $0x1  }
0x10d: {  	(erf) = vpow2.f32 v2;
	_ =	sdelay $0x8  }
0x10e: {  	v2 =	vpop (erf)  }
0x10f: {  	v1 =	vmul.f32 v2, v1  }
0x110: {  	[tilespmem:v3+s30+$0x0] =	vst.idx.add.f32.msk $0xffff, v2  }
0x111: {  	[tilespmem:v3+s31+$0x0] =	vst.idx.add.f32.msk $0xffff, v1  }
0x112: {  	v1 =	vld [tilespmem:s6+$0x1DF10];
	_ =	sdelay $0x7  }
0x113: {  	v2 =	vld.idx.msk [tilespmem:v1+s3+$0x0], $0xffff;
	_ =	sdelay $0x4  }
0x114: {  	v2 =	vmax.f32 v2, $0.0e+00  }
0x115: {  	v2 =	vadd.f32 $1.000000010e-07, v2;
	_ =	sdelay $0x1  }
0x116: {  	v3 =	vmul.f32 $1.442695020e+00, v2;
	_ =	sdelay $0x1  }
0x117: {  	(erf) = vpow2.f32 v3;
	_ =	sdelay $0x2  }
0x118: {  	v3 =	vld [tilespmem:s6+$0x1EC10];
	_ =	sdelay $0x4  }
0x119: {  	v46 =	vadd.s32 $0x2710, v1  }
0x11a: {  	v47 =	vpop (erf)  }
0x11b: {  	v2 =	vmul.f32 v47, v2  }
0x11c: {  	[tilespmem:v3+s23+$0x0] =	vst.idx.add.f32.msk $0xffff, v47  }
0x11d: {  	[tilespmem:v3+s24+$0x0] =	vst.idx.add.f32.msk $0xffff, v2  }
0x11e: {  	v2 =	vld.idx.msk [tilespmem:v46+s3+$0x0], $0xffff;
	_ =	sdelay $0x4  }
0x11f: {  	v2 =	vmax.f32 v2, $0.0e+00  }
0x120: {  	v2 =	vadd.f32 $1.000000010e-07, v2;
	_ =	sdelay $0x1  }
0x121: {  	v48 =	vmul.f32 $1.442695020e+00, v2;
	_ =	sdelay $0x1  }
0x122: {  	(erf) = vpow2.f32 v48;
	_ =	sdelay $0x7  }
0x123: {  	v49 =	vadd.s32 $0x4E20, v1  }
0x124: {  	v50 =	vpop (erf)  }
0x125: {  	v2 =	vmul.f32 v50, v2  }
0x126: {  	[tilespmem:v3+s25+$0x0] =	vst.idx.add.f32.msk $0xffff, v50  }
0x127: {  	[tilespmem:v3+s26+$0x0] =	vst.idx.add.f32.msk $0xffff, v2  }
0x128: {  	v2 =	vld.idx.msk [tilespmem:v49+s3+$0x0], $0xffff;
	_ =	sdelay $0x4  }
0x129: {  	v2 =	vmax.f32 v2, $0.0e+00  }
0x12a: {  	v2 =	vadd.f32 $1.000000010e-07, v2;
	_ =	sdelay $0x1  }
0x12b: {  	v51 =	vmul.f32 $1.442695020e+00, v2;
	_ =	sdelay $0x1  }
0x12c: {  	(erf) = vpow2.f32 v51;
	_ =	sdelay $0x7  }
0x12d: {  	v1 =	vadd.s32 $0x7530, v1  }
0x12e: {  	v4 =	vpop (erf)  }
0x12f: {  	v2 =	vmul.f32 v4, v2  }
0x130: {  	[tilespmem:v3+s28+$0x0] =	vst.idx.add.f32.msk $0xffff, v4  }
0x131: {  	[tilespmem:v3+s29+$0x0] =	vst.idx.add.f32.msk $0xffff, v2  }
0x132: {  	v1 =	vld.idx.msk [tilespmem:v1+s3+$0x0], $0xffff;
	_ =	sdelay $0x4  }
0x133: {  	v1 =	vmax.f32 v1, $0.0e+00  }
0x134: {  	v1 =	vadd.f32 $1.000000010e-07, v1;
	_ =	sdelay $0x1  }
0x135: {  	v2 =	vmul.f32 $1.442695020e+00, v1;
	_ =	sdelay $0x1  }
0x136: {  	(erf) = vpow2.f32 v2;
	_ =	sdelay $0x8  }
0x137: {  	v2 =	vpop (erf)  }
0x138: {  	v1 =	vmul.f32 v2, v1  }
0x139: {  	[tilespmem:v3+s30+$0x0] =	vst.idx.add.f32.msk $0xffff, v2  }
0x13a: {  	[tilespmem:v3+s31+$0x0] =	vst.idx.add.f32.msk $0xffff, v1  }
0x13b: {  	v1 =	vld [tilespmem:s6+$0x1DF20];
	_ =	sdelay $0x7  }
0x13c: {  	v2 =	vld.idx.msk [tilespmem:v1+s3+$0x0], $0xffff;
	_ =	sdelay $0x4  }
0x13d: {  	v2 =	vmax.f32 v2, $0.0e+00  }
0x13e: {  	v2 =	vadd.f32 $1.000000010e-07, v2;
	_ =	sdelay $0x1  }
0x13f: {  	v3 =	vmul.f32 $1.442695020e+00, v2;
	_ =	sdelay $0x1  }
0x140: {  	(erf) = vpow2.f32 v3;
	_ =	sdelay $0x2  }
0x141: {  	v3 =	vld [tilespmem:s6+$0x1EC20];
	_ =	sdelay $0x4  }
0x142: {  	v52 =	vadd.s32 $0x2710, v1  }
0x143: {  	v53 =	vpop (erf)  }
0x144: {  	v2 =	vmul.f32 v53, v2  }
0x145: {  	[tilespmem:v3+s23+$0x0] =	vst.idx.add.f32.msk $0xffff, v53  }
0x146: {  	[tilespmem:v3+s24+$0x0] =	vst.idx.add.f32.msk $0xffff, v2  }
0x147: {  	v2 =	vld.idx.msk [tilespmem:v52+s3+$0x0], $0xffff;
	_ =	sdelay $0x4  }
0x148: {  	v2 =	vmax.f32 v2, $0.0e+00  }
0x149: {  	v2 =	vadd.f32 $1.000000010e-07, v2;
	_ =	sdelay $0x1  }
0x14a: {  	v54 =	vmul.f32 $1.442695020e+00, v2;
	_ =	sdelay $0x1  }
0x14b: {  	(erf) = vpow2.f32 v54;
	_ =	sdelay $0x7  }
0x14c: {  	v55 =	vadd.s32 $0x4E20, v1  }
0x14d: {  	v56 =	vpop (erf)  }
0x14e: {  	v2 =	vmul.f32 v56, v2  }
0x14f: {  	[tilespmem:v3+s25+$0x0] =	vst.idx.add.f32.msk $0xffff, v56  }
0x150: {  	[tilespmem:v3+s26+$0x0] =	vst.idx.add.f32.msk $0xffff, v2  }
0x151: {  	v2 =	vld.idx.msk [tilespmem:v55+s3+$0x0], $0xffff;
	_ =	sdelay $0x4  }
0x152: {  	v2 =	vmax.f32 v2, $0.0e+00  }
0x153: {  	v2 =	vadd.f32 $1.000000010e-07, v2;
	_ =	sdelay $0x1  }
0x154: {  	v57 =	vmul.f32 $1.442695020e+00, v2;
	_ =	sdelay $0x1  }
0x155: {  	(erf) = vpow2.f32 v57;
	_ =	sdelay $0x7  }
0x156: {  	v1 =	vadd.s32 $0x7530, v1  }
0x157: {  	v4 =	vpop (erf)  }
0x158: {  	v2 =	vmul.f32 v4, v2  }
0x159: {  	[tilespmem:v3+s28+$0x0] =	vst.idx.add.f32.msk $0xffff, v4  }
0x15a: {  	[tilespmem:v3+s29+$0x0] =	vst.idx.add.f32.msk $0xffff, v2  }
0x15b: {  	v1 =	vld.idx.msk [tilespmem:v1+s3+$0x0], $0xffff;
	_ =	sdelay $0x4  }
0x15c: {  	v1 =	vmax.f32 v1, $0.0e+00  }
0x15d: {  	v1 =	vadd.f32 $1.000000010e-07, v1;
	_ =	sdelay $0x1  }
0x15e: {  	v2 =	vmul.f32 $1.442695020e+00, v1;
	_ =	sdelay $0x1  }
0x15f: {  	(erf) = vpow2.f32 v2;
	_ =	sdelay $0x8  }
0x160: {  	v2 =	vpop (erf)  }
0x161: {  	v1 =	vmul.f32 v2, v1  }
0x162: {  	[tilespmem:v3+s30+$0x0] =	vst.idx.add.f32.msk $0xffff, v2  }
0x163: {  	[tilespmem:v3+s31+$0x0] =	vst.idx.add.f32.msk $0xffff, v1  }
0x164: {  	v1 =	vld [tilespmem:s6+$0x1DF30];
	_ =	sdelay $0x7  }
0x165: {  	v2 =	vld.idx.msk [tilespmem:v1+s3+$0x0], $0xffff;
	_ =	sdelay $0x4  }
0x166: {  	v2 =	vmax.f32 v2, $0.0e+00  }
0x167: {  	v2 =	vadd.f32 $1.000000010e-07, v2;
	_ =	sdelay $0x1  }
0x168: {  	v3 =	vmul.f32 $1.442695020e+00, v2;
	_ =	sdelay $0x1  }
0x169: {  	(erf) = vpow2.f32 v3;
	_ =	sdelay $0x2  }
0x16a: {  	v3 =	vld [tilespmem:s6+$0x1EC30];
	_ =	sdelay $0x4  }
0x16b: {  	v58 =	vadd.s32 $0x2710, v1  }
0x16c: {  	v59 =	vpop (erf)  }
0x16d: {  	v2 =	vmul.f32 v59, v2  }
0x16e: {  	[tilespmem:v3+s23+$0x0] =	vst.idx.add.f32.msk $0xffff, v59  }
0x16f: {  	[tilespmem:v3+s24+$0x0] =	vst.idx.add.f32.msk $0xffff, v2  }
0x170: {  	v2 =	vld.idx.msk [tilespmem:v58+s3+$0x0], $0xffff;
	_ =	sdelay $0x4  }
0x171: {  	v2 =	vmax.f32 v2, $0.0e+00  }
0x172: {  	v2 =	vadd.f32 $1.000000010e-07, v2;
	_ =	sdelay $0x1  }
0x173: {  	v60 =	vmul.f32 $1.442695020e+00, v2;
	_ =	sdelay $0x1  }
0x174: {  	(erf) = vpow2.f32 v60;
	_ =	sdelay $0x7  }
0x175: {  	v61 =	vadd.s32 $0x4E20, v1  }
0x176: {  	v62 =	vpop (erf)  }
0x177: {  	v2 =	vmul.f32 v62, v2  }
0x178: {  	[tilespmem:v3+s25+$0x0] =	vst.idx.add.f32.msk $0xffff, v62  }
0x179: {  	[tilespmem:v3+s26+$0x0] =	vst.idx.add.f32.msk $0xffff, v2  }
0x17a: {  	v2 =	vld.idx.msk [tilespmem:v61+s3+$0x0], $0xffff;
	_ =	sdelay $0x4  }
0x17b: {  	v2 =	vmax.f32 v2, $0.0e+00  }
0x17c: {  	v2 =	vadd.f32 $1.000000010e-07, v2;
	_ =	sdelay $0x1  }
0x17d: {  	v63 =	vmul.f32 $1.442695020e+00, v2;
	_ =	sdelay $0x1  }
0x17e: {  	(erf) = vpow2.f32 v63;
	_ =	sdelay $0x7  }
0x17f: {  	v1 =	vadd.s32 $0x7530, v1  }
0x180: {  	v4 =	vpop (erf)  }
0x181: {  	v2 =	vmul.f32 v4, v2  }
0x182: {  	[tilespmem:v3+s28+$0x0] =	vst.idx.add.f32.msk $0xffff, v4  }
0x183: {  	[tilespmem:v3+s29+$0x0] =	vst.idx.add.f32.msk $0xffff, v2  }
0x184: {  	v1 =	vld.idx.msk [tilespmem:v1+s3+$0x0], $0xffff;
	_ =	sdelay $0x4  }
0x185: {  	v1 =	vmax.f32 v1, $0.0e+00  }
0x186: {  	v1 =	vadd.f32 $1.000000010e-07, v1;
	_ =	sdelay $0x1  }
0x187: {  	v2 =	vmul.f32 $1.442695020e+00, v1;
	_ =	sdelay $0x1  }
0x188: {  	(erf) = vpow2.f32 v2;
	_ =	sdelay $0x6  }
0x189: {  	p0 =	sne.s32 s5, $0x1800  }
.Ltmp2:
0x18a: {  	_ = 	snop;
	(pc) =	sbr.rel @p0 .LBB2_7-.Ltmp2, $4  }
0x18b: {  	v2 =	vpop (erf)  }
0x18c: {  	v1 =	vmul.f32 v2, v1  }
0x18d: {  	[tilespmem:v3+s30+$0x0] =	vst.idx.add.f32.msk $0xffff, v2  }
0x18e: {  	s5 =	sadd.s32 $0x100, s5;
	[tilespmem:v3+s31+$0x0] =	vst.idx.add.f32.msk $0xffff, v1  }
0x18f: {  	s19 =	sadd.s32 $0x1, s19  }
0x190: {  	p0 =	sne.s32 s19, $0x64  }
.Ltmp3:
0x191: {  	_ = 	snop;
	(pc) =	sbr.rel @p0 .LBB2_4-.Ltmp3, $1  }
0x192: {  	_ =	sdelay $0x3  }
0x193: {  	s5 =	rddreg [dreg:$0x4]  }
0x194: {  	[hbm4b:s5+s15] =	stream.strided.scatter [tilespmem:s23], [sflag:$0x3], $0x2780, s16, s15, $0x38;
	[tilespmem:$0x1F280] =	vst v63  }
0x195: {  	_ =	swait.ge [sflag:s17], $0x2780  }
0x196: {  	[sflag:s17] =	ssyncset.done $0x0  }
0x197: {  	s8 =	rddreg [dreg:$0x5];
	[sflag:s17] =	ssyncadd.s32 $0xFFFFD880  }
0x198: {  	[hbm4b:s8+s15] =	stream.strided.scatter [tilespmem:s24], [sflag:$0x3], $0x2780, s16, s15, $0x38;
	[tilespmem:$0x1F280] =	vst v63  }
0x199: {  	_ =	swait.ge [sflag:s17], $0x2780  }
0x19a: {  	[sflag:s17] =	ssyncset.done $0x0  }
0x19b: {  	s19 =	rddreg [dreg:$0x6];
	[sflag:s17] =	ssyncadd.s32 $0xFFFFD880  }
0x19c: {  	[hbm4b:s19+s15] =	stream.strided.scatter [tilespmem:s25], [sflag:$0x3], $0x2780, s16, s15, $0x38;
	[tilespmem:$0x1F280] =	vst v63  }
0x19d: {  	_ =	swait.ge [sflag:s17], $0x2780  }
0x19e: {  	[sflag:s17] =	ssyncset.done $0x0  }
0x19f: {  	[sflag:s17] =	ssyncadd.s32 $0xFFFFD880  }
0x1a0: {  	[hbm4b:s9+s15] =	stream.strided.scatter [tilespmem:s26], [sflag:$0x3], $0x2780, s16, s15, $0x38;
	[tilespmem:$0x1F280] =	vst v63  }
0x1a1: {  	_ =	swait.ge [sflag:s17], $0x2780  }
0x1a2: {  	[sflag:s17] =	ssyncset.done $0x0  }
0x1a3: {  	[sflag:s17] =	ssyncadd.s32 $0xFFFFD880  }
0x1a4: {  	[hbm4b:s10+s15] =	stream.strided.scatter [tilespmem:s28], [sflag:$0x3], $0x2780, s16, s15, $0x38;
	[tilespmem:$0x1F280] =	vst v63  }
0x1a5: {  	_ =	swait.ge [sflag:s17], $0x2780  }
0x1a6: {  	[sflag:s17] =	ssyncset.done $0x0  }
0x1a7: {  	[sflag:s17] =	ssyncadd.s32 $0xFFFFD880  }
0x1a8: {  	[hbm4b:s11+s15] =	stream.strided.scatter [tilespmem:s29], [sflag:$0x3], $0x2780, s16, s15, $0x38;
	[tilespmem:$0x1F280] =	vst v63  }
0x1a9: {  	_ =	swait.ge [sflag:s17], $0x2780  }
0x1aa: {  	[sflag:s17] =	ssyncset.done $0x0  }
0x1ab: {  	[sflag:s17] =	ssyncadd.s32 $0xFFFFD880  }
0x1ac: {  	[hbm4b:s12+s15] =	stream.strided.scatter [tilespmem:s30], [sflag:$0x3], $0x2780, s16, s15, $0x38;
	[tilespmem:$0x1F280] =	vst v63  }
0x1ad: {  	s0 =	sadd.s32 $0x1, s0;
	_ =	swait.ge [sflag:s17], $0x2780  }
0x1ae: {  	p0 =	sne.s32 s0, s14;
	[sflag:s17] =	ssyncset.done $0x0  }
.Ltmp4:
0x1af: {  	[sflag:s17] =	ssyncadd.s32 $0xFFFFD880;
	(pc) =	sbr.rel @p0 .LBB2_1-.Ltmp4, $4  }
0x1b0: {  	[hbm4b:s13+s15] =	stream.strided.scatter [tilespmem:s31], [sflag:$0x3], $0x2780, s16, s15, $0x38;
	[tilespmem:$0x1F280] =	vst v63  }
0x1b1: {  	_ =	swait.ge [sflag:s17], $0x2780  }
0x1b2: {  	[sflag:s17] =	ssyncset.done $0x0  }
0x1b3: {  	[sflag:s17] =	ssyncadd.s32 $0xFFFFD880  }
0x1b4: {  	_ =	sfence.sel $0x180000  }
0x1b5: {  	[bflag:$0x0] =	sbarrier.arrive $0xFFFF  }
0x1b6: {  	_ =	strace $0x90000047  }
0x1b7: {  	s0 =	stileid.u32;
	[bflag:$0x2] =	sbarrier.arrive $0xFFFF  }
0x1b8: {  	p0 =	sne.s32 s0, $0x0;
	s0 =	rddreg [dreg:$0x2]  }
0x1b9: {  	s0 =	sadd.s32 @!p0 $0x100000, s0  }
0x1ba: {  	[sflag:s0] =	ssyncadd.tile.s32 @!p0 $0x1;
	_ =	shalt  }
.Lfunc_end2:
_tile_overlayer_lowered:
.L_overlay_start_2:
0x1bb: {  	(tag) =	ssettag $0x2  }
0x1bc: {  	s0 =	rddreg [dreg:$0x0];
	s2 =	stileid.u32  }
0x1bd: {  	s1 =	rddreg [dreg:$0x1];
	p0 =	sne.s32 s2, $0x0  }
0x1be: {  	s3 =	rddreg [dreg:$0x2];
	[bflag:$0x3] =	sbarrier.arrive $0xFFFF;
	s2 =	simm.s32 @!p0 $0x1C03  }
0x1bf: {  	[timem:s3], [sflag:s2] =	dma.local @!p0 [hbm:s0], s1  }
0x1c0: {  	s0 =	simm.s32 @!p0 $0x3  }
0x1c1: {  	_ =	swait.ge @!p0 [sflag:s0], s1  }
0x1c2: {  	s1 =	ssub.s32 @!p0 $0x0, s1;
	[sflag:s0] =	ssyncset.done @!p0 $0x0  }
0x1c3: {  	[sflag:s0] =	ssyncadd.s32 @!p0 s1  }
0x1c4: {  	[bflag:$0x3] =	sbarrier.arrive $0xFFFF  }
0x1c5: {  	_ =	shalt  }

</sc_bundles>
